<compile_context>
chip_gen: v7x
topology: tpu7x:2x2x1
jax: 0.10.2.dev20260603
libtpu: 0.0.44.dev20260713+nightly
codegen_flags: <defaults>
</compile_context>

<pallas_src>
import functools

import jax
import jax.numpy as jnp
from jax import lax
from jax.experimental import pallas as pl
from jax.experimental.pallas import tpu as pltpu
from jax.experimental.pallas import tpu_sc as plsc

_N = 10000
_E = 320000
_DF = 128
_NA = 500
_NAP = 512
_NCHUNK = 4
_CW = 128
_K = 16
_RB = 1000


def _nt(a, b):
    return lax.dot_general(a, b, (((1,), (1,)), ((), ())),
                           precision=lax.Precision.HIGHEST,
                           preferred_element_type=jnp.float32)


def _bf(a):
    return a.astype(jnp.bfloat16)


def _bfdot(a, b):
    return jnp.dot(_bf(a), _bf(b), preferred_element_type=jnp.float32)


def _bfnt(a, b):
    return lax.dot_general(_bf(a), _bf(b), (((1,), (1,)), ((), ())),
                           preferred_element_type=jnp.float32)


def _emb_prob_body(x_ref, ax_ref, w_ref, b_ref, t_ref,
                   xemb_ref, p0_ref, p1_ref, p2_ref, p3_ref,
                   aemb_scr, bb_scr):
    i = pl.program_id(0)
    w = w_ref[...]
    b = b_ref[...]

    @pl.when(i == 0)
    def _():
        ae = _bfdot(ax_ref[...], w) + b
        aemb_scr[...] = ae
        bb_scr[...] = _nt(jnp.ones((1, _DF), jnp.float32), ae * ae)

    xe = _bfdot(x_ref[...], w) + b
    xemb_ref[...] = xe
    aa = jnp.sum(xe * xe, axis=1, keepdims=True)
    ab = _bfnt(xe, aemb_scr[...])
    d2 = aa + bb_scr[...] - 2.0 * ab
    dist = jnp.sqrt(jnp.clip(d2, 0.0, None) + 1e-12)
    t = jnp.exp(jnp.clip(t_ref[0], -5.0, 5.0))
    prob = jnp.exp(-dist * t)
    for ci, pr in enumerate((p0_ref, p1_ref, p2_ref, p3_ref)):
        pr[...] = prob[:, ci * 128:(ci + 1) * 128]


def _emb_prob(x, ax, w, b, t):
    grid = _N // _RB
    out_shapes = (
        jax.ShapeDtypeStruct((_N, _DF), jnp.float32),
        *(jax.ShapeDtypeStruct((_N, _CW), jnp.float32) for _ in range(_NCHUNK)),
    )
    chunk_spec = pl.BlockSpec((_RB, _CW), lambda i: (i, 0))
    return pl.pallas_call(
        _emb_prob_body,
        grid=(grid,),
        in_specs=[
            pl.BlockSpec((_RB, _DF), lambda i: (i, 0)),
            pl.BlockSpec((_NAP, _DF), lambda i: (0, 0)),
            pl.BlockSpec((_DF, _DF), lambda i: (0, 0)),
            pl.BlockSpec((1, _DF), lambda i: (0, 0)),
            pl.BlockSpec(memory_space=pltpu.SMEM),
        ],
        out_specs=(
            pl.BlockSpec((_RB, _DF), lambda i: (i, 0)),
            chunk_spec, chunk_spec, chunk_spec, chunk_spec,
        ),
        out_shape=out_shapes,
        scratch_shapes=[
            pltpu.VMEM((_NAP, _DF), jnp.float32),
            pltpu.VMEM((1, _NAP), jnp.float32),
        ],
    )(x, ax, w, b, t)



_NW = 32
_BE = 128
_NBATCH = -(-_E // (_NW * _BE))
_EPW = _BE * _NBATCH
_EPAD = _NW * _EPW
_NPAD = 10112
_STRIPE = _NPAD // 16


def _sc_scatter(pchunks, srcp, dstp, zrows, ones128):
    mesh = plsc.VectorSubcoreMesh(core_axis_name="c", subcore_axis_name="s")

    nb2 = (_NBATCH - 1) // 2

    @functools.partial(
        pl.kernel,
        out_type=tuple(jax.ShapeDtypeStruct((_NPAD, _CW), jnp.float32)
                       for _ in range(2 * (_NCHUNK + 1))),
        mesh=mesh,
        scratch_types=[
            pltpu.VMEM((_EPW,), jnp.int32),
            pltpu.VMEM((_BE,), jnp.int32),
            pltpu.VMEM((_BE,), jnp.int32),
            pltpu.VMEM((_BE, _CW), jnp.float32),
            pltpu.VMEM((_BE, _CW), jnp.float32),
            pltpu.VMEM_SHARED((_NPAD, _CW), jnp.float32),
            pltpu.SemaphoreType.DMA,
            pltpu.SemaphoreType.DMA,
            pltpu.SemaphoreType.DMA,
            pltpu.SemaphoreType.DMA,
            pltpu.SemaphoreType.DMA,
        ],
    )
    def k(p0h, p1h, p2h, p3h, srch, dsth, zrh, onesh,
          a00, a01, a02, a03, ad0, a10, a11, a12, a13, ad1,
          idxd1, idxs_a, idxs_b, rows_a, rows_b, agg_s,
          sem_ga, sem_gb, sem_ia, sem_ib, sem_d):
        aggp = (a00, a01, a02, a03, ad0, a10, a11, a12, a13, ad1)
        nout = _NCHUNK + 1
        c = lax.axis_index("c")
        s = lax.axis_index("s")
        wid = s * 2 + c
        ebase = wid * _EPW
        rslice = pl.ds(s * _STRIPE, _STRIPE)
        pltpu.sync_copy(dsth.at[pl.ds(ebase, _EPW)], idxd1)

        def fire_i(b, ibuf, sem):
            pltpu.async_copy(srch.at[pl.ds(ebase + b * _BE, _BE)], ibuf, sem)

        def wait_i(b, ibuf, sem):
            pltpu.make_async_copy(srch.at[pl.ds(ebase + b * _BE, _BE)],
                                  ibuf, sem).wait()

        for ci in range(_NCHUNK + 1):
            ph = (p0h, p1h, p2h, p3h)[ci] if ci < _NCHUNK else None
            pltpu.sync_copy(zrh.at[rslice], agg_s.at[rslice])
            plsc.subcore_barrier()

            if ph is not None:
                def fire_g(b, buf, sem, ph=ph):
                    pltpu.async_copy(ph.at[idxd1.at[pl.ds(b * _BE, _BE)]],
                                     buf, sem)

                def wait_g(b, buf, sem, ph=ph):
                    pltpu.make_async_copy(ph.at[idxd1.at[pl.ds(b * _BE, _BE)]],
                                          buf, sem).wait()

                def scat(b, buf, ibuf):
                    pltpu.sync_copy(buf, agg_s.at[ibuf], add=True)

                fire_i(0, idxs_a, sem_ia)
                fire_g(0, rows_a, sem_ga)

                def body2(j2, carry):
                    i0 = 2 * j2
                    fire_i(i0 + 1, idxs_b, sem_ib)
                    fire_g(i0 + 1, rows_b, sem_gb)
                    wait_g(i0, rows_a, sem_ga)
                    wait_i(i0, idxs_a, sem_ia)
                    scat(i0, rows_a, idxs_a)
                    fire_i(i0 + 2, idxs_a, sem_ia)
                    fire_g(i0 + 2, rows_a, sem_ga)
                    wait_g(i0 + 1, rows_b, sem_gb)
                    wait_i(i0 + 1, idxs_b, sem_ib)
                    scat(i0 + 1, rows_b, idxs_b)
                    return carry

                lax.fori_loop(0, nb2, body2, 0)
                wait_g(_NBATCH - 1, rows_a, sem_ga)
                wait_i(_NBATCH - 1, idxs_a, sem_ia)
                scat(_NBATCH - 1, rows_a, idxs_a)
            else:
                pltpu.sync_copy(onesh, rows_a)

                def body_d(i, carry):
                    pltpu.sync_copy(srch.at[pl.ds(ebase + i * _BE, _BE)],
                                    idxs_a)
                    pltpu.sync_copy(rows_a, agg_s.at[idxs_a], add=True)
                    return carry

                lax.fori_loop(0, _NBATCH, body_d, 0)

            plsc.subcore_barrier()
            for cc in range(2):
                @pl.when(c == cc)
                def _(ci=ci, cc=cc):
                    pltpu.sync_copy(agg_s.at[rslice],
                                    aggp[cc * nout + ci].at[rslice])

    return k(*pchunks, srcp, dstp, zrows, ones128)


def _topk_body(p0_ref, p1_ref, p2_ref, p3_ref,
               a00_ref, a01_ref, a02_ref, a03_ref, ad0_ref,
               a10_ref, a11_ref, a12_ref, a13_ref, ad1_ref,
               q_ref,
               ehat_ref, lp_ref):
    deg = 1.0 + ad0_ref[:, 0:1] + ad1_ref[:, 0:1]
    a0 = (a00_ref, a01_ref, a02_ref, a03_ref)
    a1 = (a10_ref, a11_ref, a12_ref, a13_ref)
    chunks = []
    for ci, pr in enumerate((p0_ref, p1_ref, p2_ref, p3_ref)):
        agg = pr[...] + a0[ci][...] + a1[ci][...]
        chunks.append(agg)
    merge = jnp.concatenate(chunks, axis=1) / deg
    logprobs = -jnp.log(jnp.clip(merge, 1e-12, None))
    gl = jnp.log(-jnp.log(q_ref[...]))
    cols = lax.broadcasted_iota(jnp.int32, (_RB, _NAP), 1)
    score = jnp.where(cols < _NA, gl - logprobs, -3e38)

    eh = jnp.zeros((_RB, _NAP), jnp.float32)
    lps = []
    for _ in range(_K):
        m = jnp.max(score, axis=1, keepdims=True)
        ismax = score >= m
        idx = jnp.min(jnp.where(ismax, cols, _NAP), axis=1, keepdims=True)
        sel = cols == idx
        eh = jnp.where(sel, 1.0, eh)
        lps.append(m)
        score = jnp.where(sel, -3e38, score)
    ehat_ref[...] = eh[:, :_NA]
    lp_ref[...] = jnp.concatenate(lps, axis=1)


def _topk(pchunks, aggp, q):
    grid = _N // _RB
    chunk_spec = pl.BlockSpec((_RB, _CW), lambda i: (i, 0))
    return pl.pallas_call(
        _topk_body,
        grid=(grid,),
        in_specs=[chunk_spec] * 14 + [
            pl.BlockSpec((_RB, _NAP), lambda i: (i, 0)),
        ],
        out_specs=(
            pl.BlockSpec((_RB, _NA), lambda i: (i, 0)),
            pl.BlockSpec((_RB, _K), lambda i: (i, 0)),
        ),
        out_shape=(
            jax.ShapeDtypeStruct((_N, _NA), jnp.float32),
            jax.ShapeDtypeStruct((_N, _K), jnp.float32),
        ),
    )(*pchunks, *aggp, q)


def kernel(x, edges, A_init, W, b, temperature):
    del edges
    anchor_idx = jax.random.choice(jax.random.key(1), _N, shape=(_NA,),
                                   replace=False)
    q = jax.random.uniform(jax.random.key(2), (_N, _NA), dtype=jnp.float32)
    q = q + 1e-12
    qp = jnp.pad(q, ((0, 0), (0, _NAP - _NA)), constant_values=0.5)

    ax = jnp.zeros((_NAP, _DF), jnp.float32).at[:_NA].set(x[anchor_idx])
    t = jnp.reshape(temperature, (1,)).astype(jnp.float32)
    b2 = jnp.reshape(b, (1, _DF))

    xemb, p0, p1, p2, p3 = _emb_prob(x, ax, W, b2, t)

    npad_e = _EPAD - _E
    srcp = jnp.concatenate(
        [A_init[0], jnp.full((npad_e,), _N, jnp.int32)])
    dstp = jnp.concatenate(
        [A_init[1], jnp.zeros((npad_e,), jnp.int32)])
    zrows = jnp.zeros((_NPAD, _CW), jnp.float32)
    ones128 = jnp.ones((_BE, _CW), jnp.float32)
    aggp = _sc_scatter((p0, p1, p2, p3), srcp, dstp, zrows, ones128)

    ehat, lp = _topk((p0, p1, p2, p3), aggp, qp)
    return (xemb, ehat, lp)

# --- scband reference (transcript-rebuilt; emitter-appended) ---
"""Pipeline reference for scband-similarity-layer-34986803593481 (READ-ONLY COPY).

The authoritative reference and input builder live on the scoring server;
editing this copy changes nothing except your own understanding.
"""

import jax, jax.numpy as jnp
import numpy as np

N = 10000
E = 320000
D_FEAT = 128
NUM_ANCHOR = 500
K = 16
VERY_SMALL_NUMBER = 1e-12
SUPER_SMALL_NUMBER = 1e-12


def _pairwise_dist(a, b):
    aa = jnp.sum(a * a, axis=1, keepdims=True)
    bb = jnp.sum(b * b, axis=1, keepdims=True).T
    d2 = aa + bb - 2.0 * (a @ b.T)
    return jnp.sqrt(jnp.clip(d2, 0.0, None) + 1e-12)


def setup_inputs(seed: int = 0) -> dict:
    key = jax.random.key(seed)
    k1, k2, k3, k4 = jax.random.split(key, 4)
    x = jax.random.normal(k1, (N, D_FEAT), dtype=jnp.float32)
    edges = jax.random.randint(k2, (2, E), 0, N, dtype=jnp.int32)
    A_init = jax.random.randint(k3, (2, E), 0, N, dtype=jnp.int32)
    W = jax.random.normal(k4, (D_FEAT, D_FEAT), dtype=jnp.float32) * 0.05
    b = jnp.zeros((D_FEAT,), dtype=jnp.float32)
    temperature = jnp.zeros((), dtype=jnp.float32)
    return {"x": x, "edges": edges, "A_init": A_init, "W": W, "b": b, "temperature": temperature}


def reference(x, edges, A_init, W, b, temperature):
    # embed_f: method == 'linear' -> nn.Linear(128, 128); `edges` unused in this branch
    x_emb = x @ W + b
    # sample_anchors: draw num_anchor distinct node rows (fixed key for determinism)
    anchor_idx = jax.random.choice(jax.random.key(1), N, shape=(NUM_ANCHOR,), replace=False)
    anchor_vec = x_emb[anchor_idx]
    # anchor_node_distances: euclidean distance matrix [N, NUM_ANCHOR]
    D = _pairwise_dist(x_emb, anchor_vec)
    log_prob = D * jnp.exp(jnp.clip(temperature, -5.0, 5.0))
    # probability_passing with A_init (use_graph=True)
    prob = jnp.exp(-log_prob)
    loop = jnp.arange(N, dtype=A_init.dtype)
    src = jnp.concatenate([A_init[0], loop])  # add_self_loops
    dst = jnp.concatenate([A_init[1], loop])
    agg = jax.ops.segment_sum(prob[dst], src, num_segments=N)
    deg = jax.ops.segment_sum(jnp.ones(src.shape, dtype=prob.dtype), src, num_segments=N)
    merge = agg / jnp.clip(deg, 1.0, None)[:, None]  # normal_D @ A @ prob
    logprobs = -jnp.log(jnp.clip(merge, SUPER_SMALL_NUMBER, None))
    # gumbel_top_k
    q = jax.random.uniform(jax.random.key(2), logprobs.shape, dtype=logprobs.dtype) + VERY_SMALL_NUMBER
    lq = logprobs - jnp.log(-jnp.log(q))
    lprobs, indices = jax.lax.top_k(-lq, K)
    edges_hat = jnp.zeros_like(logprobs).at[jnp.arange(N)[:, None], indices].set(1.0)
    return (x_emb, edges_hat, lprobs)

if __name__ == "__main__":
    import jax
    _d = setup_inputs()
    print(jax.jit(kernel)(*tuple(_d.values())))

</pallas_src>

<mosaic_0001>
#map = affine_map<(d0, d1) -> (0, 0)>
#map1 = affine_map<(d0, d1) -> (0)>
module attributes {stable_mosaic.version = 14 : i64} {
  func.func @k(%arg0: i32, %arg1: i32, %arg2: memref<10000x128xf32, #tpu.memory_space<hbm>>, %arg3: memref<10000x128xf32, #tpu.memory_space<hbm>>, %arg4: memref<10000x128xf32, #tpu.memory_space<hbm>>, %arg5: memref<10000x128xf32, #tpu.memory_space<hbm>>, %arg6: memref<323584xi32, #tpu.memory_space<hbm>>, %arg7: memref<323584xi32, #tpu.memory_space<hbm>>, %arg8: memref<10112x128xf32, #tpu.memory_space<hbm>>, %arg9: memref<128x128xf32, #tpu.memory_space<hbm>>, %arg10: memref<10112x128xf32, #tpu.memory_space<hbm>>, %arg11: memref<10112x128xf32, #tpu.memory_space<hbm>>, %arg12: memref<10112x128xf32, #tpu.memory_space<hbm>>, %arg13: memref<10112x128xf32, #tpu.memory_space<hbm>>, %arg14: memref<10112x128xf32, #tpu.memory_space<hbm>>, %arg15: memref<10112x128xf32, #tpu.memory_space<hbm>>, %arg16: memref<10112x128xf32, #tpu.memory_space<hbm>>, %arg17: memref<10112x128xf32, #tpu.memory_space<hbm>>, %arg18: memref<10112x128xf32, #tpu.memory_space<hbm>>, %arg19: memref<10112x128xf32, #tpu.memory_space<hbm>>, %arg20: memref<10112xi32, #tpu.memory_space<vmem>>, %arg21: memref<128xi32, #tpu.memory_space<vmem>>, %arg22: memref<128xi32, #tpu.memory_space<vmem>>, %arg23: memref<128x128xf32, #tpu.memory_space<vmem>>, %arg24: memref<128x128xf32, #tpu.memory_space<vmem>>, %arg25: memref<10112x128xf32, #tpu.memory_space<vmem_shared>>, %arg26: memref<!tpu.dma_semaphore, #tpu.memory_space<semaphore_mem>>, %arg27: memref<!tpu.dma_semaphore, #tpu.memory_space<semaphore_mem>>, %arg28: memref<!tpu.dma_semaphore, #tpu.memory_space<semaphore_mem>>, %arg29: memref<!tpu.dma_semaphore, #tpu.memory_space<semaphore_mem>>, %arg30: memref<!tpu.dma_semaphore, #tpu.memory_space<semaphore_mem>>) attributes {dimension_semantics = [#tpu.dimension_semantics<core_parallel>, #tpu.dimension_semantics<subcore_parallel>], iteration_bounds = array<i64: 2, 16>, scalar_prefetch = 0 : i64, scratch_operands = 11 : i64, tpu.core_type = #tpu.core_type<sc_vector_subcore>, window_params = [{transform_indices = #map}, {transform_indices = #map}, {transform_indices = #map}, {transform_indices = #map}, {transform_indices = #map1}, {transform_indices = #map1}, {transform_indices = #map}, {transform_indices = #map}, {transform_indices = #map}, {transform_indices = #map}, {transform_indices = #map}, {transform_indices = #map}, {transform_indices = #map}, {transform_indices = #map}, {transform_indices = #map}, {transform_indices = #map}, {transform_indices = #map}, {transform_indices = #map}]} {
    %mul3A = arith.constant 2 : i32
    %mul3A_0 = arith.muli %arg1, %mul3A : i32
    %add3A = arith.addi %mul3A_0, %arg0 : i32
    %mul3A_1 = arith.constant 10112 : i32
    %mul3A_2 = arith.muli %add3A, %mul3A_1 : i32
    %mul3A_3 = arith.constant 632 : i32
    %mul3A_4 = arith.muli %arg1, %mul3A_3 : i32
    "tpu.region"() ({
      %run_scoped3A = tpu.sem_alloc : memref<!tpu.dma_semaphore, #tpu.memory_space<semaphore_mem>>
      %dma_start3A_160 = tpu.memref_slice %arg7[%mul3A_2] : memref<323584xi32, #tpu.memory_space<hbm>> -> memref<10112xi32, #tpu.memory_space<hbm>>
      %dma_start3A_161 = tpu.memref_slice %arg7[%mul3A_2] : memref<323584xi32, #tpu.memory_space<hbm>> -> memref<10112xi32, #tpu.memory_space<hbm>>
      tpu.enqueue_dma source(%dma_start3A_161 : memref<10112xi32, #tpu.memory_space<hbm>>) target(%arg20 : memref<10112xi32, #tpu.memory_space<vmem>>) target_semaphore(%run_scoped3A : memref<!tpu.dma_semaphore, #tpu.memory_space<semaphore_mem>>)
      %dma_wait3A_162 = tpu.memref_slice %arg7[%mul3A_2] : memref<323584xi32, #tpu.memory_space<hbm>> -> memref<10112xi32, #tpu.memory_space<hbm>>
      %dma_wait3A_163 = tpu.memref_slice %arg7[%mul3A_2] : memref<323584xi32, #tpu.memory_space<hbm>> -> memref<10112xi32, #tpu.memory_space<hbm>>
      tpu.wait_dma2 semaphore(%run_scoped3A : memref<!tpu.dma_semaphore, #tpu.memory_space<semaphore_mem>>) src(%dma_wait3A_163 : memref<10112xi32, #tpu.memory_space<hbm>>) dst(%arg20 : memref<10112xi32, #tpu.memory_space<vmem>>)
      tpu.yield
    }) : () -> ()
    "tpu.region"() ({
      %run_scoped3A = tpu.sem_alloc : memref<!tpu.dma_semaphore, #tpu.memory_space<semaphore_mem>>
      %dma_start3A_160 = arith.constant 0 : i32
      %dma_start3A_161 = tpu.memref_slice %arg25[%mul3A_4, %dma_start3A_160] : memref<10112x128xf32, #tpu.memory_space<vmem_shared>> -> memref<632x128xf32, #tpu.memory_space<vmem_shared>>
      %dma_start3A_162 = arith.constant 0 : i32
      %dma_start3A_163 = tpu.memref_slice %arg8[%mul3A_4, %dma_start3A_162] : memref<10112x128xf32, #tpu.memory_space<hbm>> -> memref<632x128xf32, #tpu.memory_space<hbm>>
      tpu.enqueue_dma source(%dma_start3A_163 : memref<632x128xf32, #tpu.memory_space<hbm>>) target(%dma_start3A_161 : memref<632x128xf32, #tpu.memory_space<vmem_shared>>) target_semaphore(%run_scoped3A : memref<!tpu.dma_semaphore, #tpu.memory_space<semaphore_mem>>)
      %dma_wait3A_164 = arith.constant 0 : i32
      %dma_wait3A_165 = tpu.memref_slice %arg25[%mul3A_4, %dma_wait3A_164] : memref<10112x128xf32, #tpu.memory_space<vmem_shared>> -> memref<632x128xf32, #tpu.memory_space<vmem_shared>>
      %dma_wait3A_166 = arith.constant 0 : i32
      %dma_wait3A_167 = tpu.memref_slice %arg8[%mul3A_4, %dma_wait3A_166] : memref<10112x128xf32, #tpu.memory_space<hbm>> -> memref<632x128xf32, #tpu.memory_space<hbm>>
      tpu.wait_dma2 semaphore(%run_scoped3A : memref<!tpu.dma_semaphore, #tpu.memory_space<semaphore_mem>>) src(%dma_wait3A_167 : memref<632x128xf32, #tpu.memory_space<hbm>>) dst(%dma_wait3A_165 : memref<632x128xf32, #tpu.memory_space<vmem_shared>>)
      tpu.yield
    }) : () -> ()
    %barrier3A = arith.constant 0 : index
    tpu.barrier barrier_id(%barrier3A)
    %add3A_5 = arith.constant 0 : i32
    %add3A_6 = arith.addi %mul3A_2, %add3A_5 : i32
    %dma_start3A = tpu.memref_slice %arg6[%add3A_6] : memref<323584xi32, #tpu.memory_space<hbm>> -> memref<128xi32, #tpu.memory_space<hbm>>
    %dma_start3A_7 = tpu.memref_slice %arg6[%add3A_6] : memref<323584xi32, #tpu.memory_space<hbm>> -> memref<128xi32, #tpu.memory_space<hbm>>
    tpu.enqueue_dma source(%dma_start3A_7 : memref<128xi32, #tpu.memory_space<hbm>>) target(%arg21 : memref<128xi32, #tpu.memory_space<vmem>>) target_semaphore(%arg28 : memref<!tpu.dma_semaphore, #tpu.memory_space<semaphore_mem>>)
    %dma_start3A_8 = arith.constant 0 : i32
    %dma_start3A_9 = tpu.memref_slice %arg20[%dma_start3A_8] : memref<10112xi32, #tpu.memory_space<vmem>> -> memref<128xi32, #tpu.memory_space<vmem>>
    %dma_start3A_10 = arith.constant 0 : i32
    %dma_start3A_11 = arith.constant 0 : i32
    %dma_start3A_12 = tpu.memref_slice %arg2[%dma_start3A_10, %dma_start3A_11] : memref<10000x128xf32, #tpu.memory_space<hbm>> -> memref<10000x128xf32, #tpu.memory_space<hbm>>
    tpu.enqueue_indirect_dma source(%dma_start3A_12 : memref<10000x128xf32, #tpu.memory_space<hbm>>) target(%arg23 : memref<128x128xf32, #tpu.memory_space<vmem>>) offsets(%dma_start3A_9 : memref<128xi32, #tpu.memory_space<vmem>>) semaphore(%arg26 : memref<!tpu.dma_semaphore, #tpu.memory_space<semaphore_mem>>)
    %scan3A = arith.constant 0 : i32
    %scan3A_13 = arith.constant 0 : i32
    %scan3A_14 = arith.constant 39 : i32
    %scan3A_15 = arith.addi %scan3A_13, %scan3A_14 : i32
    %scan3A_16 = arith.constant 1 : i32
    scf.for %scan3A_160 = %scan3A_13 to %scan3A_15 step %scan3A_16  : i32 {
      %mul3A_161 = arith.constant 2 : i32
      %mul3A_162 = arith.muli %mul3A_161, %scan3A_160 : i32
      %add3A_163 = arith.constant 1 : i32
      %add3A_164 = arith.addi %mul3A_162, %add3A_163 : i32
      %mul3A_165 = arith.constant 128 : i32
      %mul3A_166 = arith.muli %add3A_164, %mul3A_165 : i32
      %add3A_167 = arith.addi %mul3A_2, %mul3A_166 : i32
      %dma_start3A_168 = tpu.memref_slice %arg6[%add3A_167] : memref<323584xi32, #tpu.memory_space<hbm>> -> memref<128xi32, #tpu.memory_space<hbm>>
      %dma_start3A_169 = tpu.memref_slice %arg6[%add3A_167] : memref<323584xi32, #tpu.memory_space<hbm>> -> memref<128xi32, #tpu.memory_space<hbm>>
      tpu.enqueue_dma source(%dma_start3A_169 : memref<128xi32, #tpu.memory_space<hbm>>) target(%arg22 : memref<128xi32, #tpu.memory_space<vmem>>) target_semaphore(%arg29 : memref<!tpu.dma_semaphore, #tpu.memory_space<semaphore_mem>>)
      %add3A_170 = arith.constant 1 : i32
      %add3A_171 = arith.addi %mul3A_162, %add3A_170 : i32
      %mul3A_172 = arith.constant 128 : i32
      %mul3A_173 = arith.muli %add3A_171, %mul3A_172 : i32
      %dma_start3A_174 = tpu.memref_slice %arg20[%mul3A_173] : memref<10112xi32, #tpu.memory_space<vmem>> -> memref<128xi32, #tpu.memory_space<vmem>>
      %dma_start3A_175 = arith.constant 0 : i32
      %dma_start3A_176 = arith.constant 0 : i32
      %dma_start3A_177 = tpu.memref_slice %arg2[%dma_start3A_175, %dma_start3A_176] : memref<10000x128xf32, #tpu.memory_space<hbm>> -> memref<10000x128xf32, #tpu.memory_space<hbm>>
      tpu.enqueue_indirect_dma source(%dma_start3A_177 : memref<10000x128xf32, #tpu.memory_space<hbm>>) target(%arg24 : memref<128x128xf32, #tpu.memory_space<vmem>>) offsets(%dma_start3A_174 : memref<128xi32, #tpu.memory_space<vmem>>) semaphore(%arg27 : memref<!tpu.dma_semaphore, #tpu.memory_space<semaphore_mem>>)
      %mul3A_178 = arith.constant 128 : i32
      %mul3A_179 = arith.muli %mul3A_162, %mul3A_178 : i32
      %dma_wait3A_180 = tpu.memref_slice %arg20[%mul3A_179] : memref<10112xi32, #tpu.memory_space<vmem>> -> memref<128xi32, #tpu.memory_space<vmem>>
      %dma_wait3A_181 = arith.constant 0 : i32
      %dma_wait3A_182 = arith.constant 0 : i32
      %dma_wait3A_183 = tpu.memref_slice %arg2[%dma_wait3A_181, %dma_wait3A_182] : memref<10000x128xf32, #tpu.memory_space<hbm>> -> memref<10000x128xf32, #tpu.memory_space<hbm>>
      tpu.wait_indirect_dma semaphore(%arg26 : memref<!tpu.dma_semaphore, #tpu.memory_space<semaphore_mem>>) src(%dma_wait3A_183 : memref<10000x128xf32, #tpu.memory_space<hbm>>) dst(%arg23 : memref<128x128xf32, #tpu.memory_space<vmem>>)
      %mul3A_184 = arith.constant 128 : i32
      %mul3A_185 = arith.muli %mul3A_162, %mul3A_184 : i32
      %add3A_186 = arith.addi %mul3A_2, %mul3A_185 : i32
      %dma_wait3A_187 = tpu.memref_slice %arg6[%add3A_186] : memref<323584xi32, #tpu.memory_space<hbm>> -> memref<128xi32, #tpu.memory_space<hbm>>
      %dma_wait3A_188 = tpu.memref_slice %arg6[%add3A_186] : memref<323584xi32, #tpu.memory_space<hbm>> -> memref<128xi32, #tpu.memory_space<hbm>>
      tpu.wait_dma2 semaphore(%arg28 : memref<!tpu.dma_semaphore, #tpu.memory_space<semaphore_mem>>) src(%dma_wait3A_188 : memref<128xi32, #tpu.memory_space<hbm>>) dst(%arg21 : memref<128xi32, #tpu.memory_space<vmem>>)
      "tpu.region"() ({
        %run_scoped3A = tpu.sem_alloc : memref<!tpu.dma_semaphore, #tpu.memory_space<semaphore_mem>>
        %dma_start3A_221 = arith.constant 0 : i32
        %dma_start3A_222 = arith.constant 0 : i32
        %dma_start3A_223 = tpu.memref_slice %arg25[%dma_start3A_221, %dma_start3A_222] : memref<10112x128xf32, #tpu.memory_space<vmem_shared>> -> memref<10112x128xf32, #tpu.memory_space<vmem_shared>>
        tpu.enqueue_indirect_dma source(%arg23 : memref<128x128xf32, #tpu.memory_space<vmem>>) target(%dma_start3A_223 : memref<10112x128xf32, #tpu.memory_space<vmem_shared>>) offsets(%arg21 : memref<128xi32, #tpu.memory_space<vmem>>) semaphore(%run_scoped3A : memref<!tpu.dma_semaphore, #tpu.memory_space<semaphore_mem>>) {add = true}
        %dma_wait3A_224 = arith.constant 0 : i32
        %dma_wait3A_225 = arith.constant 0 : i32
        %dma_wait3A_226 = tpu.memref_slice %arg25[%dma_wait3A_224, %dma_wait3A_225] : memref<10112x128xf32, #tpu.memory_space<vmem_shared>> -> memref<10112x128xf32, #tpu.memory_space<vmem_shared>>
        tpu.wait_indirect_dma semaphore(%run_scoped3A : memref<!tpu.dma_semaphore, #tpu.memory_space<semaphore_mem>>) src(%arg23 : memref<128x128xf32, #tpu.memory_space<vmem>>) dst(%dma_wait3A_226 : memref<10112x128xf32, #tpu.memory_space<vmem_shared>>)
        tpu.yield
      }) : () -> ()
      %add3A_189 = arith.constant 2 : i32
      %add3A_190 = arith.addi %mul3A_162, %add3A_189 : i32
      %mul3A_191 = arith.constant 128 : i32
      %mul3A_192 = arith.muli %add3A_190, %mul3A_191 : i32
      %add3A_193 = arith.addi %mul3A_2, %mul3A_192 : i32
      %dma_start3A_194 = tpu.memref_slice %arg6[%add3A_193] : memref<323584xi32, #tpu.memory_space<hbm>> -> memref<128xi32, #tpu.memory_space<hbm>>
      %dma_start3A_195 = tpu.memref_slice %arg6[%add3A_193] : memref<323584xi32, #tpu.memory_space<hbm>> -> memref<128xi32, #tpu.memory_space<hbm>>
      tpu.enqueue_dma source(%dma_start3A_195 : memref<128xi32, #tpu.memory_space<hbm>>) target(%arg21 : memref<128xi32, #tpu.memory_space<vmem>>) target_semaphore(%arg28 : memref<!tpu.dma_semaphore, #tpu.memory_space<semaphore_mem>>)
      %add3A_196 = arith.constant 2 : i32
      %add3A_197 = arith.addi %mul3A_162, %add3A_196 : i32
      %mul3A_198 = arith.constant 128 : i32
      %mul3A_199 = arith.muli %add3A_197, %mul3A_198 : i32
      %dma_start3A_200 = tpu.memref_slice %arg20[%mul3A_199] : memref<10112xi32, #tpu.memory_space<vmem>> -> memref<128xi32, #tpu.memory_space<vmem>>
      %dma_start3A_201 = arith.constant 0 : i32
      %dma_start3A_202 = arith.constant 0 : i32
      %dma_start3A_203 = tpu.memref_slice %arg2[%dma_start3A_201, %dma_start3A_202] : memref<10000x128xf32, #tpu.memory_space<hbm>> -> memref<10000x128xf32, #tpu.memory_space<hbm>>
      tpu.enqueue_indirect_dma source(%dma_start3A_203 : memref<10000x128xf32, #tpu.memory_space<hbm>>) target(%arg23 : memref<128x128xf32, #tpu.memory_space<vmem>>) offsets(%dma_start3A_200 : memref<128xi32, #tpu.memory_space<vmem>>) semaphore(%arg26 : memref<!tpu.dma_semaphore, #tpu.memory_space<semaphore_mem>>)
      %add3A_204 = arith.constant 1 : i32
      %add3A_205 = arith.addi %mul3A_162, %add3A_204 : i32
      %mul3A_206 = arith.constant 128 : i32
      %mul3A_207 = arith.muli %add3A_205, %mul3A_206 : i32
      %dma_wait3A_208 = tpu.memref_slice %arg20[%mul3A_207] : memref<10112xi32, #tpu.memory_space<vmem>> -> memref<128xi32, #tpu.memory_space<vmem>>
      %dma_wait3A_209 = arith.constant 0 : i32
      %dma_wait3A_210 = arith.constant 0 : i32
      %dma_wait3A_211 = tpu.memref_slice %arg2[%dma_wait3A_209, %dma_wait3A_210] : memref<10000x128xf32, #tpu.memory_space<hbm>> -> memref<10000x128xf32, #tpu.memory_space<hbm>>
      tpu.wait_indirect_dma semaphore(%arg27 : memref<!tpu.dma_semaphore, #tpu.memory_space<semaphore_mem>>) src(%dma_wait3A_211 : memref<10000x128xf32, #tpu.memory_space<hbm>>) dst(%arg24 : memref<128x128xf32, #tpu.memory_space<vmem>>)
      %add3A_212 = arith.constant 1 : i32
      %add3A_213 = arith.addi %mul3A_162, %add3A_212 : i32
      %mul3A_214 = arith.constant 128 : i32
      %mul3A_215 = arith.muli %add3A_213, %mul3A_214 : i32
      %add3A_216 = arith.addi %mul3A_2, %mul3A_215 : i32
      %dma_wait3A_217 = tpu.memref_slice %arg6[%add3A_216] : memref<323584xi32, #tpu.memory_space<hbm>> -> memref<128xi32, #tpu.memory_space<hbm>>
      %dma_wait3A_218 = tpu.memref_slice %arg6[%add3A_216] : memref<323584xi32, #tpu.memory_space<hbm>> -> memref<128xi32, #tpu.memory_space<hbm>>
      tpu.wait_dma2 semaphore(%arg29 : memref<!tpu.dma_semaphore, #tpu.memory_space<semaphore_mem>>) src(%dma_wait3A_218 : memref<128xi32, #tpu.memory_space<hbm>>) dst(%arg22 : memref<128xi32, #tpu.memory_space<vmem>>)
      %add3A_219 = arith.constant 1 : i32
      %add3A_220 = arith.addi %mul3A_162, %add3A_219 : i32
      "tpu.region"() ({
        %run_scoped3A = tpu.sem_alloc : memref<!tpu.dma_semaphore, #tpu.memory_space<semaphore_mem>>
        %dma_start3A_221 = arith.constant 0 : i32
        %dma_start3A_222 = arith.constant 0 : i32
        %dma_start3A_223 = tpu.memref_slice %arg25[%dma_start3A_221, %dma_start3A_222] : memref<10112x128xf32, #tpu.memory_space<vmem_shared>> -> memref<10112x128xf32, #tpu.memory_space<vmem_shared>>
        tpu.enqueue_indirect_dma source(%arg24 : memref<128x128xf32, #tpu.memory_space<vmem>>) target(%dma_start3A_223 : memref<10112x128xf32, #tpu.memory_space<vmem_shared>>) offsets(%arg22 : memref<128xi32, #tpu.memory_space<vmem>>) semaphore(%run_scoped3A : memref<!tpu.dma_semaphore, #tpu.memory_space<semaphore_mem>>) {add = true}
        %dma_wait3A_224 = arith.constant 0 : i32
        %dma_wait3A_225 = arith.constant 0 : i32
        %dma_wait3A_226 = tpu.memref_slice %arg25[%dma_wait3A_224, %dma_wait3A_225] : memref<10112x128xf32, #tpu.memory_space<vmem_shared>> -> memref<10112x128xf32, #tpu.memory_space<vmem_shared>>
        tpu.wait_indirect_dma semaphore(%run_scoped3A : memref<!tpu.dma_semaphore, #tpu.memory_space<semaphore_mem>>) src(%arg24 : memref<128x128xf32, #tpu.memory_space<vmem>>) dst(%dma_wait3A_226 : memref<10112x128xf32, #tpu.memory_space<vmem_shared>>)
        tpu.yield
      }) : () -> ()
    }
    %scan3A_17 = arith.constant 39 : i32
    %dma_wait3A = arith.constant 9984 : i32
    %dma_wait3A_18 = tpu.memref_slice %arg20[%dma_wait3A] : memref<10112xi32, #tpu.memory_space<vmem>> -> memref<128xi32, #tpu.memory_space<vmem>>
    %dma_wait3A_19 = arith.constant 0 : i32
    %dma_wait3A_20 = arith.constant 0 : i32
    %dma_wait3A_21 = tpu.memref_slice %arg2[%dma_wait3A_19, %dma_wait3A_20] : memref<10000x128xf32, #tpu.memory_space<hbm>> -> memref<10000x128xf32, #tpu.memory_space<hbm>>
    tpu.wait_indirect_dma semaphore(%arg26 : memref<!tpu.dma_semaphore, #tpu.memory_space<semaphore_mem>>) src(%dma_wait3A_21 : memref<10000x128xf32, #tpu.memory_space<hbm>>) dst(%arg23 : memref<128x128xf32, #tpu.memory_space<vmem>>)
    %add3A_22 = arith.constant 9984 : i32
    %add3A_23 = arith.addi %mul3A_2, %add3A_22 : i32
    %dma_wait3A_24 = tpu.memref_slice %arg6[%add3A_23] : memref<323584xi32, #tpu.memory_space<hbm>> -> memref<128xi32, #tpu.memory_space<hbm>>
    %dma_wait3A_25 = tpu.memref_slice %arg6[%add3A_23] : memref<323584xi32, #tpu.memory_space<hbm>> -> memref<128xi32, #tpu.memory_space<hbm>>
    tpu.wait_dma2 semaphore(%arg28 : memref<!tpu.dma_semaphore, #tpu.memory_space<semaphore_mem>>) src(%dma_wait3A_25 : memref<128xi32, #tpu.memory_space<hbm>>) dst(%arg21 : memref<128xi32, #tpu.memory_space<vmem>>)
    "tpu.region"() ({
      %run_scoped3A = tpu.sem_alloc : memref<!tpu.dma_semaphore, #tpu.memory_space<semaphore_mem>>
      %dma_start3A_160 = arith.constant 0 : i32
      %dma_start3A_161 = arith.constant 0 : i32
      %dma_start3A_162 = tpu.memref_slice %arg25[%dma_start3A_160, %dma_start3A_161] : memref<10112x128xf32, #tpu.memory_space<vmem_shared>> -> memref<10112x128xf32, #tpu.memory_space<vmem_shared>>
      tpu.enqueue_indirect_dma source(%arg23 : memref<128x128xf32, #tpu.memory_space<vmem>>) target(%dma_start3A_162 : memref<10112x128xf32, #tpu.memory_space<vmem_shared>>) offsets(%arg21 : memref<128xi32, #tpu.memory_space<vmem>>) semaphore(%run_scoped3A : memref<!tpu.dma_semaphore, #tpu.memory_space<semaphore_mem>>) {add = true}
      %dma_wait3A_163 = arith.constant 0 : i32
      %dma_wait3A_164 = arith.constant 0 : i32
      %dma_wait3A_165 = tpu.memref_slice %arg25[%dma_wait3A_163, %dma_wait3A_164] : memref<10112x128xf32, #tpu.memory_space<vmem_shared>> -> memref<10112x128xf32, #tpu.memory_space<vmem_shared>>
      tpu.wait_indirect_dma semaphore(%run_scoped3A : memref<!tpu.dma_semaphore, #tpu.memory_space<semaphore_mem>>) src(%arg23 : memref<128x128xf32, #tpu.memory_space<vmem>>) dst(%dma_wait3A_165 : memref<10112x128xf32, #tpu.memory_space<vmem_shared>>)
      tpu.yield
    }) : () -> ()
    %barrier3A_26 = arith.constant 0 : index
    tpu.barrier barrier_id(%barrier3A_26)
    %eq3A = arith.constant 0 : i32
    %eq3A_27 = arith.cmpi eq, %arg0, %eq3A : i32
    %convert_element_type3A = arith.extui %eq3A_27 : i1 to i32
    %cond3A = arith.constant 0 : i32
    %cond3A_28 = arith.cmpi ne, %convert_element_type3A, %cond3A : i32
    scf.if %cond3A_28 {
      "tpu.region"() ({
        %run_scoped3A = tpu.sem_alloc : memref<!tpu.dma_semaphore, #tpu.memory_space<semaphore_mem>>
        %dma_start3A_160 = arith.constant 0 : i32
        %dma_start3A_161 = tpu.memref_slice %arg10[%mul3A_4, %dma_start3A_160] : memref<10112x128xf32, #tpu.memory_space<hbm>> -> memref<632x128xf32, #tpu.memory_space<hbm>>
        %dma_start3A_162 = arith.constant 0 : i32
        %dma_start3A_163 = tpu.memref_slice %arg25[%mul3A_4, %dma_start3A_162] : memref<10112x128xf32, #tpu.memory_space<vmem_shared>> -> memref<632x128xf32, #tpu.memory_space<vmem_shared>>
        tpu.enqueue_dma source(%dma_start3A_163 : memref<632x128xf32, #tpu.memory_space<vmem_shared>>) target(%dma_start3A_161 : memref<632x128xf32, #tpu.memory_space<hbm>>) target_semaphore(%run_scoped3A : memref<!tpu.dma_semaphore, #tpu.memory_space<semaphore_mem>>)
        %dma_wait3A_164 = arith.constant 0 : i32
        %dma_wait3A_165 = tpu.memref_slice %arg10[%mul3A_4, %dma_wait3A_164] : memref<10112x128xf32, #tpu.memory_space<hbm>> -> memref<632x128xf32, #tpu.memory_space<hbm>>
        %dma_wait3A_166 = arith.constant 0 : i32
        %dma_wait3A_167 = tpu.memref_slice %arg25[%mul3A_4, %dma_wait3A_166] : memref<10112x128xf32, #tpu.memory_space<vmem_shared>> -> memref<632x128xf32, #tpu.memory_space<vmem_shared>>
        tpu.wait_dma2 semaphore(%run_scoped3A : memref<!tpu.dma_semaphore, #tpu.memory_space<semaphore_mem>>) src(%dma_wait3A_167 : memref<632x128xf32, #tpu.memory_space<vmem_shared>>) dst(%dma_wait3A_165 : memref<632x128xf32, #tpu.memory_space<hbm>>)
        tpu.yield
      }) : () -> ()
    } else {
    }
    %eq3A_29 = arith.constant 1 : i32
    %eq3A_30 = arith.cmpi eq, %arg0, %eq3A_29 : i32
    %convert_element_type3A_31 = arith.extui %eq3A_30 : i1 to i32
    %cond3A_32 = arith.constant 0 : i32
    %cond3A_33 = arith.cmpi ne, %convert_element_type3A_31, %cond3A_32 : i32
    scf.if %cond3A_33 {
      "tpu.region"() ({
        %run_scoped3A = tpu.sem_alloc : memref<!tpu.dma_semaphore, #tpu.memory_space<semaphore_mem>>
        %dma_start3A_160 = arith.constant 0 : i32
        %dma_start3A_161 = tpu.memref_slice %arg15[%mul3A_4, %dma_start3A_160] : memref<10112x128xf32, #tpu.memory_space<hbm>> -> memref<632x128xf32, #tpu.memory_space<hbm>>
        %dma_start3A_162 = arith.constant 0 : i32
        %dma_start3A_163 = tpu.memref_slice %arg25[%mul3A_4, %dma_start3A_162] : memref<10112x128xf32, #tpu.memory_space<vmem_shared>> -> memref<632x128xf32, #tpu.memory_space<vmem_shared>>
        tpu.enqueue_dma source(%dma_start3A_163 : memref<632x128xf32, #tpu.memory_space<vmem_shared>>) target(%dma_start3A_161 : memref<632x128xf32, #tpu.memory_space<hbm>>) target_semaphore(%run_scoped3A : memref<!tpu.dma_semaphore, #tpu.memory_space<semaphore_mem>>)
        %dma_wait3A_164 = arith.constant 0 : i32
        %dma_wait3A_165 = tpu.memref_slice %arg15[%mul3A_4, %dma_wait3A_164] : memref<10112x128xf32, #tpu.memory_space<hbm>> -> memref<632x128xf32, #tpu.memory_space<hbm>>
        %dma_wait3A_166 = arith.constant 0 : i32
        %dma_wait3A_167 = tpu.memref_slice %arg25[%mul3A_4, %dma_wait3A_166] : memref<10112x128xf32, #tpu.memory_space<vmem_shared>> -> memref<632x128xf32, #tpu.memory_space<vmem_shared>>
        tpu.wait_dma2 semaphore(%run_scoped3A : memref<!tpu.dma_semaphore, #tpu.memory_space<semaphore_mem>>) src(%dma_wait3A_167 : memref<632x128xf32, #tpu.memory_space<vmem_shared>>) dst(%dma_wait3A_165 : memref<632x128xf32, #tpu.memory_space<hbm>>)
        tpu.yield
      }) : () -> ()
    } else {
    }
    "tpu.region"() ({
      %run_scoped3A = tpu.sem_alloc : memref<!tpu.dma_semaphore, #tpu.memory_space<semaphore_mem>>
      %dma_start3A_160 = arith.constant 0 : i32
      %dma_start3A_161 = tpu.memref_slice %arg25[%mul3A_4, %dma_start3A_160] : memref<10112x128xf32, #tpu.memory_space<vmem_shared>> -> memref<632x128xf32, #tpu.memory_space<vmem_shared>>
      %dma_start3A_162 = arith.constant 0 : i32
      %dma_start3A_163 = tpu.memref_slice %arg8[%mul3A_4, %dma_start3A_162] : memref<10112x128xf32, #tpu.memory_space<hbm>> -> memref<632x128xf32, #tpu.memory_space<hbm>>
      tpu.enqueue_dma source(%dma_start3A_163 : memref<632x128xf32, #tpu.memory_space<hbm>>) target(%dma_start3A_161 : memref<632x128xf32, #tpu.memory_space<vmem_shared>>) target_semaphore(%run_scoped3A : memref<!tpu.dma_semaphore, #tpu.memory_space<semaphore_mem>>)
      %dma_wait3A_164 = arith.constant 0 : i32
      %dma_wait3A_165 = tpu.memref_slice %arg25[%mul3A_4, %dma_wait3A_164] : memref<10112x128xf32, #tpu.memory_space<vmem_shared>> -> memref<632x128xf32, #tpu.memory_space<vmem_shared>>
      %dma_wait3A_166 = arith.constant 0 : i32
      %dma_wait3A_167 = tpu.memref_slice %arg8[%mul3A_4, %dma_wait3A_166] : memref<10112x128xf32, #tpu.memory_space<hbm>> -> memref<632x128xf32, #tpu.memory_space<hbm>>
      tpu.wait_dma2 semaphore(%run_scoped3A : memref<!tpu.dma_semaphore, #tpu.memory_space<semaphore_mem>>) src(%dma_wait3A_167 : memref<632x128xf32, #tpu.memory_space<hbm>>) dst(%dma_wait3A_165 : memref<632x128xf32, #tpu.memory_space<vmem_shared>>)
      tpu.yield
    }) : () -> ()
    %barrier3A_34 = arith.constant 0 : index
    tpu.barrier barrier_id(%barrier3A_34)
    %add3A_35 = arith.constant 0 : i32
    %add3A_36 = arith.addi %mul3A_2, %add3A_35 : i32
    %dma_start3A_37 = tpu.memref_slice %arg6[%add3A_36] : memref<323584xi32, #tpu.memory_space<hbm>> -> memref<128xi32, #tpu.memory_space<hbm>>
    %dma_start3A_38 = tpu.memref_slice %arg6[%add3A_36] : memref<323584xi32, #tpu.memory_space<hbm>> -> memref<128xi32, #tpu.memory_space<hbm>>
    tpu.enqueue_dma source(%dma_start3A_38 : memref<128xi32, #tpu.memory_space<hbm>>) target(%arg21 : memref<128xi32, #tpu.memory_space<vmem>>) target_semaphore(%arg28 : memref<!tpu.dma_semaphore, #tpu.memory_space<semaphore_mem>>)
    %dma_start3A_39 = arith.constant 0 : i32
    %dma_start3A_40 = tpu.memref_slice %arg20[%dma_start3A_39] : memref<10112xi32, #tpu.memory_space<vmem>> -> memref<128xi32, #tpu.memory_space<vmem>>
    %dma_start3A_41 = arith.constant 0 : i32
    %dma_start3A_42 = arith.constant 0 : i32
    %dma_start3A_43 = tpu.memref_slice %arg3[%dma_start3A_41, %dma_start3A_42] : memref<10000x128xf32, #tpu.memory_space<hbm>> -> memref<10000x128xf32, #tpu.memory_space<hbm>>
    tpu.enqueue_indirect_dma source(%dma_start3A_43 : memref<10000x128xf32, #tpu.memory_space<hbm>>) target(%arg23 : memref<128x128xf32, #tpu.memory_space<vmem>>) offsets(%dma_start3A_40 : memref<128xi32, #tpu.memory_space<vmem>>) semaphore(%arg26 : memref<!tpu.dma_semaphore, #tpu.memory_space<semaphore_mem>>)
    %scan3A_44 = arith.constant 0 : i32
    %scan3A_45 = arith.constant 0 : i32
    %scan3A_46 = arith.constant 39 : i32
    %scan3A_47 = arith.addi %scan3A_45, %scan3A_46 : i32
    %scan3A_48 = arith.constant 1 : i32
    scf.for %scan3A_160 = %scan3A_45 to %scan3A_47 step %scan3A_48  : i32 {
      %mul3A_161 = arith.constant 2 : i32
      %mul3A_162 = arith.muli %mul3A_161, %scan3A_160 : i32
      %add3A_163 = arith.constant 1 : i32
      %add3A_164 = arith.addi %mul3A_162, %add3A_163 : i32
      %mul3A_165 = arith.constant 128 : i32
      %mul3A_166 = arith.muli %add3A_164, %mul3A_165 : i32
      %add3A_167 = arith.addi %mul3A_2, %mul3A_166 : i32
      %dma_start3A_168 = tpu.memref_slice %arg6[%add3A_167] : memref<323584xi32, #tpu.memory_space<hbm>> -> memref<128xi32, #tpu.memory_space<hbm>>
      %dma_start3A_169 = tpu.memref_slice %arg6[%add3A_167] : memref<323584xi32, #tpu.memory_space<hbm>> -> memref<128xi32, #tpu.memory_space<hbm>>
      tpu.enqueue_dma source(%dma_start3A_169 : memref<128xi32, #tpu.memory_space<hbm>>) target(%arg22 : memref<128xi32, #tpu.memory_space<vmem>>) target_semaphore(%arg29 : memref<!tpu.dma_semaphore, #tpu.memory_space<semaphore_mem>>)
      %add3A_170 = arith.constant 1 : i32
      %add3A_171 = arith.addi %mul3A_162, %add3A_170 : i32
      %mul3A_172 = arith.constant 128 : i32
      %mul3A_173 = arith.muli %add3A_171, %mul3A_172 : i32
      %dma_start3A_174 = tpu.memref_slice %arg20[%mul3A_173] : memref<10112xi32, #tpu.memory_space<vmem>> -> memref<128xi32, #tpu.memory_space<vmem>>
      %dma_start3A_175 = arith.constant 0 : i32
      %dma_start3A_176 = arith.constant 0 : i32
      %dma_start3A_177 = tpu.memref_slice %arg3[%dma_start3A_175, %dma_start3A_176] : memref<10000x128xf32, #tpu.memory_space<hbm>> -> memref<10000x128xf32, #tpu.memory_space<hbm>>
      tpu.enqueue_indirect_dma source(%dma_start3A_177 : memref<10000x128xf32, #tpu.memory_space<hbm>>) target(%arg24 : memref<128x128xf32, #tpu.memory_space<vmem>>) offsets(%dma_start3A_174 : memref<128xi32, #tpu.memory_space<vmem>>) semaphore(%arg27 : memref<!tpu.dma_semaphore, #tpu.memory_space<semaphore_mem>>)
      %mul3A_178 = arith.constant 128 : i32
      %mul3A_179 = arith.muli %mul3A_162, %mul3A_178 : i32
      %dma_wait3A_180 = tpu.memref_slice %arg20[%mul3A_179] : memref<10112xi32, #tpu.memory_space<vmem>> -> memref<128xi32, #tpu.memory_space<vmem>>
      %dma_wait3A_181 = arith.constant 0 : i32
      %dma_wait3A_182 = arith.constant 0 : i32
      %dma_wait3A_183 = tpu.memref_slice %arg3[%dma_wait3A_181, %dma_wait3A_182] : memref<10000x128xf32, #tpu.memory_space<hbm>> -> memref<10000x128xf32, #tpu.memory_space<hbm>>
      tpu.wait_indirect_dma semaphore(%arg26 : memref<!tpu.dma_semaphore, #tpu.memory_space<semaphore_mem>>) src(%dma_wait3A_183 : memref<10000x128xf32, #tpu.memory_space<hbm>>) dst(%arg23 : memref<128x128xf32, #tpu.memory_space<vmem>>)
      %mul3A_184 = arith.constant 128 : i32
      %mul3A_185 = arith.muli %mul3A_162, %mul3A_184 : i32
      %add3A_186 = arith.addi %mul3A_2, %mul3A_185 : i32
      %dma_wait3A_187 = tpu.memref_slice %arg6[%add3A_186] : memref<323584xi32, #tpu.memory_space<hbm>> -> memref<128xi32, #tpu.memory_space<hbm>>
      %dma_wait3A_188 = tpu.memref_slice %arg6[%add3A_186] : memref<323584xi32, #tpu.memory_space<hbm>> -> memref<128xi32, #tpu.memory_space<hbm>>
      tpu.wait_dma2 semaphore(%arg28 : memref<!tpu.dma_semaphore, #tpu.memory_space<semaphore_mem>>) src(%dma_wait3A_188 : memref<128xi32, #tpu.memory_space<hbm>>) dst(%arg21 : memref<128xi32, #tpu.memory_space<vmem>>)
      "tpu.region"() ({
        %run_scoped3A = tpu.sem_alloc : memref<!tpu.dma_semaphore, #tpu.memory_space<semaphore_mem>>
        %dma_start3A_221 = arith.constant 0 : i32
        %dma_start3A_222 = arith.constant 0 : i32
        %dma_start3A_223 = tpu.memref_slice %arg25[%dma_start3A_221, %dma_start3A_222] : memref<10112x128xf32, #tpu.memory_space<vmem_shared>> -> memref<10112x128xf32, #tpu.memory_space<vmem_shared>>
        tpu.enqueue_indirect_dma source(%arg23 : memref<128x128xf32, #tpu.memory_space<vmem>>) target(%dma_start3A_223 : memref<10112x128xf32, #tpu.memory_space<vmem_shared>>) offsets(%arg21 : memref<128xi32, #tpu.memory_space<vmem>>) semaphore(%run_scoped3A : memref<!tpu.dma_semaphore, #tpu.memory_space<semaphore_mem>>) {add = true}
        %dma_wait3A_224 = arith.constant 0 : i32
        %dma_wait3A_225 = arith.constant 0 : i32
        %dma_wait3A_226 = tpu.memref_slice %arg25[%dma_wait3A_224, %dma_wait3A_225] : memref<10112x128xf32, #tpu.memory_space<vmem_shared>> -> memref<10112x128xf32, #tpu.memory_space<vmem_shared>>
        tpu.wait_indirect_dma semaphore(%run_scoped3A : memref<!tpu.dma_semaphore, #tpu.memory_space<semaphore_mem>>) src(%arg23 : memref<128x128xf32, #tpu.memory_space<vmem>>) dst(%dma_wait3A_226 : memref<10112x128xf32, #tpu.memory_space<vmem_shared>>)
        tpu.yield
      }) : () -> ()
      %add3A_189 = arith.constant 2 : i32
      %add3A_190 = arith.addi %mul3A_162, %add3A_189 : i32
      %mul3A_191 = arith.constant 128 : i32
      %mul3A_192 = arith.muli %add3A_190, %mul3A_191 : i32
      %add3A_193 = arith.addi %mul3A_2, %mul3A_192 : i32
      %dma_start3A_194 = tpu.memref_slice %arg6[%add3A_193] : memref<323584xi32, #tpu.memory_space<hbm>> -> memref<128xi32, #tpu.memory_space<hbm>>
      %dma_start3A_195 = tpu.memref_slice %arg6[%add3A_193] : memref<323584xi32, #tpu.memory_space<hbm>> -> memref<128xi32, #tpu.memory_space<hbm>>
      tpu.enqueue_dma source(%dma_start3A_195 : memref<128xi32, #tpu.memory_space<hbm>>) target(%arg21 : memref<128xi32, #tpu.memory_space<vmem>>) target_semaphore(%arg28 : memref<!tpu.dma_semaphore, #tpu.memory_space<semaphore_mem>>)
      %add3A_196 = arith.constant 2 : i32
      %add3A_197 = arith.addi %mul3A_162, %add3A_196 : i32
      %mul3A_198 = arith.constant 128 : i32
      %mul3A_199 = arith.muli %add3A_197, %mul3A_198 : i32
      %dma_start3A_200 = tpu.memref_slice %arg20[%mul3A_199] : memref<10112xi32, #tpu.memory_space<vmem>> -> memref<128xi32, #tpu.memory_space<vmem>>
      %dma_start3A_201 = arith.constant 0 : i32
      %dma_start3A_202 = arith.constant 0 : i32
      %dma_start3A_203 = tpu.memref_slice %arg3[%dma_start3A_201, %dma_start3A_202] : memref<10000x128xf32, #tpu.memory_space<hbm>> -> memref<10000x128xf32, #tpu.memory_space<hbm>>
      tpu.enqueue_indirect_dma source(%dma_start3A_203 : memref<10000x128xf32, #tpu.memory_space<hbm>>) target(%arg23 : memref<128x128xf32, #tpu.memory_space<vmem>>) offsets(%dma_start3A_200 : memref<128xi32, #tpu.memory_space<vmem>>) semaphore(%arg26 : memref<!tpu.dma_semaphore, #tpu.memory_space<semaphore_mem>>)
      %add3A_204 = arith.constant 1 : i32
      %add3A_205 = arith.addi %mul3A_162, %add3A_204 : i32
      %mul3A_206 = arith.constant 128 : i32
      %mul3A_207 = arith.muli %add3A_205, %mul3A_206 : i32
      %dma_wait3A_208 = tpu.memref_slice %arg20[%mul3A_207] : memref<10112xi32, #tpu.memory_space<vmem>> -> memref<128xi32, #tpu.memory_space<vmem>>
      %dma_wait3A_209 = arith.constant 0 : i32
      %dma_wait3A_210 = arith.constant 0 : i32
      %dma_wait3A_211 = tpu.memref_slice %arg3[%dma_wait3A_209, %dma_wait3A_210] : memref<10000x128xf32, #tpu.memory_space<hbm>> -> memref<10000x128xf32, #tpu.memory_space<hbm>>
      tpu.wait_indirect_dma semaphore(%arg27 : memref<!tpu.dma_semaphore, #tpu.memory_space<semaphore_mem>>) src(%dma_wait3A_211 : memref<10000x128xf32, #tpu.memory_space<hbm>>) dst(%arg24 : memref<128x128xf32, #tpu.memory_space<vmem>>)
      %add3A_212 = arith.constant 1 : i32
      %add3A_213 = arith.addi %mul3A_162, %add3A_212 : i32
      %mul3A_214 = arith.constant 128 : i32
      %mul3A_215 = arith.muli %add3A_213, %mul3A_214 : i32
      %add3A_216 = arith.addi %mul3A_2, %mul3A_215 : i32
      %dma_wait3A_217 = tpu.memref_slice %arg6[%add3A_216] : memref<323584xi32, #tpu.memory_space<hbm>> -> memref<128xi32, #tpu.memory_space<hbm>>
      %dma_wait3A_218 = tpu.memref_slice %arg6[%add3A_216] : memref<323584xi32, #tpu.memory_space<hbm>> -> memref<128xi32, #tpu.memory_space<hbm>>
      tpu.wait_dma2 semaphore(%arg29 : memref<!tpu.dma_semaphore, #tpu.memory_space<semaphore_mem>>) src(%dma_wait3A_218 : memref<128xi32, #tpu.memory_space<hbm>>) dst(%arg22 : memref<128xi32, #tpu.memory_space<vmem>>)
      %add3A_219 = arith.constant 1 : i32
      %add3A_220 = arith.addi %mul3A_162, %add3A_219 : i32
      "tpu.region"() ({
        %run_scoped3A = tpu.sem_alloc : memref<!tpu.dma_semaphore, #tpu.memory_space<semaphore_mem>>
        %dma_start3A_221 = arith.constant 0 : i32
        %dma_start3A_222 = arith.constant 0 : i32
        %dma_start3A_223 = tpu.memref_slice %arg25[%dma_start3A_221, %dma_start3A_222] : memref<10112x128xf32, #tpu.memory_space<vmem_shared>> -> memref<10112x128xf32, #tpu.memory_space<vmem_shared>>
        tpu.enqueue_indirect_dma source(%arg24 : memref<128x128xf32, #tpu.memory_space<vmem>>) target(%dma_start3A_223 : memref<10112x128xf32, #tpu.memory_space<vmem_shared>>) offsets(%arg22 : memref<128xi32, #tpu.memory_space<vmem>>) semaphore(%run_scoped3A : memref<!tpu.dma_semaphore, #tpu.memory_space<semaphore_mem>>) {add = true}
        %dma_wait3A_224 = arith.constant 0 : i32
        %dma_wait3A_225 = arith.constant 0 : i32
        %dma_wait3A_226 = tpu.memref_slice %arg25[%dma_wait3A_224, %dma_wait3A_225] : memref<10112x128xf32, #tpu.memory_space<vmem_shared>> -> memref<10112x128xf32, #tpu.memory_space<vmem_shared>>
        tpu.wait_indirect_dma semaphore(%run_scoped3A : memref<!tpu.dma_semaphore, #tpu.memory_space<semaphore_mem>>) src(%arg24 : memref<128x128xf32, #tpu.memory_space<vmem>>) dst(%dma_wait3A_226 : memref<10112x128xf32, #tpu.memory_space<vmem_shared>>)
        tpu.yield
      }) : () -> ()
    }
    %scan3A_49 = arith.constant 39 : i32
    %dma_wait3A_50 = arith.constant 9984 : i32
    %dma_wait3A_51 = tpu.memref_slice %arg20[%dma_wait3A_50] : memref<10112xi32, #tpu.memory_space<vmem>> -> memref<128xi32, #tpu.memory_space<vmem>>
    %dma_wait3A_52 = arith.constant 0 : i32
    %dma_wait3A_53 = arith.constant 0 : i32
    %dma_wait3A_54 = tpu.memref_slice %arg3[%dma_wait3A_52, %dma_wait3A_53] : memref<10000x128xf32, #tpu.memory_space<hbm>> -> memref<10000x128xf32, #tpu.memory_space<hbm>>
    tpu.wait_indirect_dma semaphore(%arg26 : memref<!tpu.dma_semaphore, #tpu.memory_space<semaphore_mem>>) src(%dma_wait3A_54 : memref<10000x128xf32, #tpu.memory_space<hbm>>) dst(%arg23 : memref<128x128xf32, #tpu.memory_space<vmem>>)
    %add3A_55 = arith.constant 9984 : i32
    %add3A_56 = arith.addi %mul3A_2, %add3A_55 : i32
    %dma_wait3A_57 = tpu.memref_slice %arg6[%add3A_56] : memref<323584xi32, #tpu.memory_space<hbm>> -> memref<128xi32, #tpu.memory_space<hbm>>
    %dma_wait3A_58 = tpu.memref_slice %arg6[%add3A_56] : memref<323584xi32, #tpu.memory_space<hbm>> -> memref<128xi32, #tpu.memory_space<hbm>>
    tpu.wait_dma2 semaphore(%arg28 : memref<!tpu.dma_semaphore, #tpu.memory_space<semaphore_mem>>) src(%dma_wait3A_58 : memref<128xi32, #tpu.memory_space<hbm>>) dst(%arg21 : memref<128xi32, #tpu.memory_space<vmem>>)
    "tpu.region"() ({
      %run_scoped3A = tpu.sem_alloc : memref<!tpu.dma_semaphore, #tpu.memory_space<semaphore_mem>>
      %dma_start3A_160 = arith.constant 0 : i32
      %dma_start3A_161 = arith.constant 0 : i32
      %dma_start3A_162 = tpu.memref_slice %arg25[%dma_start3A_160, %dma_start3A_161] : memref<10112x128xf32, #tpu.memory_space<vmem_shared>> -> memref<10112x128xf32, #tpu.memory_space<vmem_shared>>
      tpu.enqueue_indirect_dma source(%arg23 : memref<128x128xf32, #tpu.memory_space<vmem>>) target(%dma_start3A_162 : memref<10112x128xf32, #tpu.memory_space<vmem_shared>>) offsets(%arg21 : memref<128xi32, #tpu.memory_space<vmem>>) semaphore(%run_scoped3A : memref<!tpu.dma_semaphore, #tpu.memory_space<semaphore_mem>>) {add = true}
      %dma_wait3A_163 = arith.constant 0 : i32
      %dma_wait3A_164 = arith.constant 0 : i32
      %dma_wait3A_165 = tpu.memref_slice %arg25[%dma_wait3A_163, %dma_wait3A_164] : memref<10112x128xf32, #tpu.memory_space<vmem_shared>> -> memref<10112x128xf32, #tpu.memory_space<vmem_shared>>
      tpu.wait_indirect_dma semaphore(%run_scoped3A : memref<!tpu.dma_semaphore, #tpu.memory_space<semaphore_mem>>) src(%arg23 : memref<128x128xf32, #tpu.memory_space<vmem>>) dst(%dma_wait3A_165 : memref<10112x128xf32, #tpu.memory_space<vmem_shared>>)
      tpu.yield
    }) : () -> ()
    %barrier3A_59 = arith.constant 0 : index
    tpu.barrier barrier_id(%barrier3A_59)
    %eq3A_60 = arith.constant 0 : i32
    %eq3A_61 = arith.cmpi eq, %arg0, %eq3A_60 : i32
    %convert_element_type3A_62 = arith.extui %eq3A_61 : i1 to i32
    %cond3A_63 = arith.constant 0 : i32
    %cond3A_64 = arith.cmpi ne, %convert_element_type3A_62, %cond3A_63 : i32
    scf.if %cond3A_64 {
      "tpu.region"() ({
        %run_scoped3A = tpu.sem_alloc : memref<!tpu.dma_semaphore, #tpu.memory_space<semaphore_mem>>
        %dma_start3A_160 = arith.constant 0 : i32
        %dma_start3A_161 = tpu.memref_slice %arg11[%mul3A_4, %dma_start3A_160] : memref<10112x128xf32, #tpu.memory_space<hbm>> -> memref<632x128xf32, #tpu.memory_space<hbm>>
        %dma_start3A_162 = arith.constant 0 : i32
        %dma_start3A_163 = tpu.memref_slice %arg25[%mul3A_4, %dma_start3A_162] : memref<10112x128xf32, #tpu.memory_space<vmem_shared>> -> memref<632x128xf32, #tpu.memory_space<vmem_shared>>
        tpu.enqueue_dma source(%dma_start3A_163 : memref<632x128xf32, #tpu.memory_space<vmem_shared>>) target(%dma_start3A_161 : memref<632x128xf32, #tpu.memory_space<hbm>>) target_semaphore(%run_scoped3A : memref<!tpu.dma_semaphore, #tpu.memory_space<semaphore_mem>>)
        %dma_wait3A_164 = arith.constant 0 : i32
        %dma_wait3A_165 = tpu.memref_slice %arg11[%mul3A_4, %dma_wait3A_164] : memref<10112x128xf32, #tpu.memory_space<hbm>> -> memref<632x128xf32, #tpu.memory_space<hbm>>
        %dma_wait3A_166 = arith.constant 0 : i32
        %dma_wait3A_167 = tpu.memref_slice %arg25[%mul3A_4, %dma_wait3A_166] : memref<10112x128xf32, #tpu.memory_space<vmem_shared>> -> memref<632x128xf32, #tpu.memory_space<vmem_shared>>
        tpu.wait_dma2 semaphore(%run_scoped3A : memref<!tpu.dma_semaphore, #tpu.memory_space<semaphore_mem>>) src(%dma_wait3A_167 : memref<632x128xf32, #tpu.memory_space<vmem_shared>>) dst(%dma_wait3A_165 : memref<632x128xf32, #tpu.memory_space<hbm>>)
        tpu.yield
      }) : () -> ()
    } else {
    }
    %eq3A_65 = arith.constant 1 : i32
    %eq3A_66 = arith.cmpi eq, %arg0, %eq3A_65 : i32
    %convert_element_type3A_67 = arith.extui %eq3A_66 : i1 to i32
    %cond3A_68 = arith.constant 0 : i32
    %cond3A_69 = arith.cmpi ne, %convert_element_type3A_67, %cond3A_68 : i32
    scf.if %cond3A_69 {
      "tpu.region"() ({
        %run_scoped3A = tpu.sem_alloc : memref<!tpu.dma_semaphore, #tpu.memory_space<semaphore_mem>>
        %dma_start3A_160 = arith.constant 0 : i32
        %dma_start3A_161 = tpu.memref_slice %arg16[%mul3A_4, %dma_start3A_160] : memref<10112x128xf32, #tpu.memory_space<hbm>> -> memref<632x128xf32, #tpu.memory_space<hbm>>
        %dma_start3A_162 = arith.constant 0 : i32
        %dma_start3A_163 = tpu.memref_slice %arg25[%mul3A_4, %dma_start3A_162] : memref<10112x128xf32, #tpu.memory_space<vmem_shared>> -> memref<632x128xf32, #tpu.memory_space<vmem_shared>>
        tpu.enqueue_dma source(%dma_start3A_163 : memref<632x128xf32, #tpu.memory_space<vmem_shared>>) target(%dma_start3A_161 : memref<632x128xf32, #tpu.memory_space<hbm>>) target_semaphore(%run_scoped3A : memref<!tpu.dma_semaphore, #tpu.memory_space<semaphore_mem>>)
        %dma_wait3A_164 = arith.constant 0 : i32
        %dma_wait3A_165 = tpu.memref_slice %arg16[%mul3A_4, %dma_wait3A_164] : memref<10112x128xf32, #tpu.memory_space<hbm>> -> memref<632x128xf32, #tpu.memory_space<hbm>>
        %dma_wait3A_166 = arith.constant 0 : i32
        %dma_wait3A_167 = tpu.memref_slice %arg25[%mul3A_4, %dma_wait3A_166] : memref<10112x128xf32, #tpu.memory_space<vmem_shared>> -> memref<632x128xf32, #tpu.memory_space<vmem_shared>>
        tpu.wait_dma2 semaphore(%run_scoped3A : memref<!tpu.dma_semaphore, #tpu.memory_space<semaphore_mem>>) src(%dma_wait3A_167 : memref<632x128xf32, #tpu.memory_space<vmem_shared>>) dst(%dma_wait3A_165 : memref<632x128xf32, #tpu.memory_space<hbm>>)
        tpu.yield
      }) : () -> ()
    } else {
    }
    "tpu.region"() ({
      %run_scoped3A = tpu.sem_alloc : memref<!tpu.dma_semaphore, #tpu.memory_space<semaphore_mem>>
      %dma_start3A_160 = arith.constant 0 : i32
      %dma_start3A_161 = tpu.memref_slice %arg25[%mul3A_4, %dma_start3A_160] : memref<10112x128xf32, #tpu.memory_space<vmem_shared>> -> memref<632x128xf32, #tpu.memory_space<vmem_shared>>
      %dma_start3A_162 = arith.constant 0 : i32
      %dma_start3A_163 = tpu.memref_slice %arg8[%mul3A_4, %dma_start3A_162] : memref<10112x128xf32, #tpu.memory_space<hbm>> -> memref<632x128xf32, #tpu.memory_space<hbm>>
      tpu.enqueue_dma source(%dma_start3A_163 : memref<632x128xf32, #tpu.memory_space<hbm>>) target(%dma_start3A_161 : memref<632x128xf32, #tpu.memory_space<vmem_shared>>) target_semaphore(%run_scoped3A : memref<!tpu.dma_semaphore, #tpu.memory_space<semaphore_mem>>)
      %dma_wait3A_164 = arith.constant 0 : i32
      %dma_wait3A_165 = tpu.memref_slice %arg25[%mul3A_4, %dma_wait3A_164] : memref<10112x128xf32, #tpu.memory_space<vmem_shared>> -> memref<632x128xf32, #tpu.memory_space<vmem_shared>>
      %dma_wait3A_166 = arith.constant 0 : i32
      %dma_wait3A_167 = tpu.memref_slice %arg8[%mul3A_4, %dma_wait3A_166] : memref<10112x128xf32, #tpu.memory_space<hbm>> -> memref<632x128xf32, #tpu.memory_space<hbm>>
      tpu.wait_dma2 semaphore(%run_scoped3A : memref<!tpu.dma_semaphore, #tpu.memory_space<semaphore_mem>>) src(%dma_wait3A_167 : memref<632x128xf32, #tpu.memory_space<hbm>>) dst(%dma_wait3A_165 : memref<632x128xf32, #tpu.memory_space<vmem_shared>>)
      tpu.yield
    }) : () -> ()
    %barrier3A_70 = arith.constant 0 : index
    tpu.barrier barrier_id(%barrier3A_70)
    %add3A_71 = arith.constant 0 : i32
    %add3A_72 = arith.addi %mul3A_2, %add3A_71 : i32
    %dma_start3A_73 = tpu.memref_slice %arg6[%add3A_72] : memref<323584xi32, #tpu.memory_space<hbm>> -> memref<128xi32, #tpu.memory_space<hbm>>
    %dma_start3A_74 = tpu.memref_slice %arg6[%add3A_72] : memref<323584xi32, #tpu.memory_space<hbm>> -> memref<128xi32, #tpu.memory_space<hbm>>
    tpu.enqueue_dma source(%dma_start3A_74 : memref<128xi32, #tpu.memory_space<hbm>>) target(%arg21 : memref<128xi32, #tpu.memory_space<vmem>>) target_semaphore(%arg28 : memref<!tpu.dma_semaphore, #tpu.memory_space<semaphore_mem>>)
    %dma_start3A_75 = arith.constant 0 : i32
    %dma_start3A_76 = tpu.memref_slice %arg20[%dma_start3A_75] : memref<10112xi32, #tpu.memory_space<vmem>> -> memref<128xi32, #tpu.memory_space<vmem>>
    %dma_start3A_77 = arith.constant 0 : i32
    %dma_start3A_78 = arith.constant 0 : i32
    %dma_start3A_79 = tpu.memref_slice %arg4[%dma_start3A_77, %dma_start3A_78] : memref<10000x128xf32, #tpu.memory_space<hbm>> -> memref<10000x128xf32, #tpu.memory_space<hbm>>
    tpu.enqueue_indirect_dma source(%dma_start3A_79 : memref<10000x128xf32, #tpu.memory_space<hbm>>) target(%arg23 : memref<128x128xf32, #tpu.memory_space<vmem>>) offsets(%dma_start3A_76 : memref<128xi32, #tpu.memory_space<vmem>>) semaphore(%arg26 : memref<!tpu.dma_semaphore, #tpu.memory_space<semaphore_mem>>)
    %scan3A_80 = arith.constant 0 : i32
    %scan3A_81 = arith.constant 0 : i32
    %scan3A_82 = arith.constant 39 : i32
    %scan3A_83 = arith.addi %scan3A_81, %scan3A_82 : i32
    %scan3A_84 = arith.constant 1 : i32
    scf.for %scan3A_160 = %scan3A_81 to %scan3A_83 step %scan3A_84  : i32 {
      %mul3A_161 = arith.constant 2 : i32
      %mul3A_162 = arith.muli %mul3A_161, %scan3A_160 : i32
      %add3A_163 = arith.constant 1 : i32
      %add3A_164 = arith.addi %mul3A_162, %add3A_163 : i32
      %mul3A_165 = arith.constant 128 : i32
      %mul3A_166 = arith.muli %add3A_164, %mul3A_165 : i32
      %add3A_167 = arith.addi %mul3A_2, %mul3A_166 : i32
      %dma_start3A_168 = tpu.memref_slice %arg6[%add3A_167] : memref<323584xi32, #tpu.memory_space<hbm>> -> memref<128xi32, #tpu.memory_space<hbm>>
      %dma_start3A_169 = tpu.memref_slice %arg6[%add3A_167] : memref<323584xi32, #tpu.memory_space<hbm>> -> memref<128xi32, #tpu.memory_space<hbm>>
      tpu.enqueue_dma source(%dma_start3A_169 : memref<128xi32, #tpu.memory_space<hbm>>) target(%arg22 : memref<128xi32, #tpu.memory_space<vmem>>) target_semaphore(%arg29 : memref<!tpu.dma_semaphore, #tpu.memory_space<semaphore_mem>>)
      %add3A_170 = arith.constant 1 : i32
      %add3A_171 = arith.addi %mul3A_162, %add3A_170 : i32
      %mul3A_172 = arith.constant 128 : i32
      %mul3A_173 = arith.muli %add3A_171, %mul3A_172 : i32
      %dma_start3A_174 = tpu.memref_slice %arg20[%mul3A_173] : memref<10112xi32, #tpu.memory_space<vmem>> -> memref<128xi32, #tpu.memory_space<vmem>>
      %dma_start3A_175 = arith.constant 0 : i32
      %dma_start3A_176 = arith.constant 0 : i32
      %dma_start3A_177 = tpu.memref_slice %arg4[%dma_start3A_175, %dma_start3A_176] : memref<10000x128xf32, #tpu.memory_space<hbm>> -> memref<10000x128xf32, #tpu.memory_space<hbm>>
      tpu.enqueue_indirect_dma source(%dma_start3A_177 : memref<10000x128xf32, #tpu.memory_space<hbm>>) target(%arg24 : memref<128x128xf32, #tpu.memory_space<vmem>>) offsets(%dma_start3A_174 : memref<128xi32, #tpu.memory_space<vmem>>) semaphore(%arg27 : memref<!tpu.dma_semaphore, #tpu.memory_space<semaphore_mem>>)
      %mul3A_178 = arith.constant 128 : i32
      %mul3A_179 = arith.muli %mul3A_162, %mul3A_178 : i32
      %dma_wait3A_180 = tpu.memref_slice %arg20[%mul3A_179] : memref<10112xi32, #tpu.memory_space<vmem>> -> memref<128xi32, #tpu.memory_space<vmem>>
      %dma_wait3A_181 = arith.constant 0 : i32
      %dma_wait3A_182 = arith.constant 0 : i32
      %dma_wait3A_183 = tpu.memref_slice %arg4[%dma_wait3A_181, %dma_wait3A_182] : memref<10000x128xf32, #tpu.memory_space<hbm>> -> memref<10000x128xf32, #tpu.memory_space<hbm>>
      tpu.wait_indirect_dma semaphore(%arg26 : memref<!tpu.dma_semaphore, #tpu.memory_space<semaphore_mem>>) src(%dma_wait3A_183 : memref<10000x128xf32, #tpu.memory_space<hbm>>) dst(%arg23 : memref<128x128xf32, #tpu.memory_space<vmem>>)
      %mul3A_184 = arith.constant 128 : i32
      %mul3A_185 = arith.muli %mul3A_162, %mul3A_184 : i32
      %add3A_186 = arith.addi %mul3A_2, %mul3A_185 : i32
      %dma_wait3A_187 = tpu.memref_slice %arg6[%add3A_186] : memref<323584xi32, #tpu.memory_space<hbm>> -> memref<128xi32, #tpu.memory_space<hbm>>
      %dma_wait3A_188 = tpu.memref_slice %arg6[%add3A_186] : memref<323584xi32, #tpu.memory_space<hbm>> -> memref<128xi32, #tpu.memory_space<hbm>>
      tpu.wait_dma2 semaphore(%arg28 : memref<!tpu.dma_semaphore, #tpu.memory_space<semaphore_mem>>) src(%dma_wait3A_188 : memref<128xi32, #tpu.memory_space<hbm>>) dst(%arg21 : memref<128xi32, #tpu.memory_space<vmem>>)
      "tpu.region"() ({
        %run_scoped3A = tpu.sem_alloc : memref<!tpu.dma_semaphore, #tpu.memory_space<semaphore_mem>>
        %dma_start3A_221 = arith.constant 0 : i32
        %dma_start3A_222 = arith.constant 0 : i32
        %dma_start3A_223 = tpu.memref_slice %arg25[%dma_start3A_221, %dma_start3A_222] : memref<10112x128xf32, #tpu.memory_space<vmem_shared>> -> memref<10112x128xf32, #tpu.memory_space<vmem_shared>>
        tpu.enqueue_indirect_dma source(%arg23 : memref<128x128xf32, #tpu.memory_space<vmem>>) target(%dma_start3A_223 : memref<10112x128xf32, #tpu.memory_space<vmem_shared>>) offsets(%arg21 : memref<128xi32, #tpu.memory_space<vmem>>) semaphore(%run_scoped3A : memref<!tpu.dma_semaphore, #tpu.memory_space<semaphore_mem>>) {add = true}
        %dma_wait3A_224 = arith.constant 0 : i32
        %dma_wait3A_225 = arith.constant 0 : i32
        %dma_wait3A_226 = tpu.memref_slice %arg25[%dma_wait3A_224, %dma_wait3A_225] : memref<10112x128xf32, #tpu.memory_space<vmem_shared>> -> memref<10112x128xf32, #tpu.memory_space<vmem_shared>>
        tpu.wait_indirect_dma semaphore(%run_scoped3A : memref<!tpu.dma_semaphore, #tpu.memory_space<semaphore_mem>>) src(%arg23 : memref<128x128xf32, #tpu.memory_space<vmem>>) dst(%dma_wait3A_226 : memref<10112x128xf32, #tpu.memory_space<vmem_shared>>)
        tpu.yield
      }) : () -> ()
      %add3A_189 = arith.constant 2 : i32
      %add3A_190 = arith.addi %mul3A_162, %add3A_189 : i32
      %mul3A_191 = arith.constant 128 : i32
      %mul3A_192 = arith.muli %add3A_190, %mul3A_191 : i32
      %add3A_193 = arith.addi %mul3A_2, %mul3A_192 : i32
      %dma_start3A_194 = tpu.memref_slice %arg6[%add3A_193] : memref<323584xi32, #tpu.memory_space<hbm>> -> memref<128xi32, #tpu.memory_space<hbm>>
      %dma_start3A_195 = tpu.memref_slice %arg6[%add3A_193] : memref<323584xi32, #tpu.memory_space<hbm>> -> memref<128xi32, #tpu.memory_space<hbm>>
      tpu.enqueue_dma source(%dma_start3A_195 : memref<128xi32, #tpu.memory_space<hbm>>) target(%arg21 : memref<128xi32, #tpu.memory_space<vmem>>) target_semaphore(%arg28 : memref<!tpu.dma_semaphore, #tpu.memory_space<semaphore_mem>>)
      %add3A_196 = arith.constant 2 : i32
      %add3A_197 = arith.addi %mul3A_162, %add3A_196 : i32
      %mul3A_198 = arith.constant 128 : i32
      %mul3A_199 = arith.muli %add3A_197, %mul3A_198 : i32
      %dma_start3A_200 = tpu.memref_slice %arg20[%mul3A_199] : memref<10112xi32, #tpu.memory_space<vmem>> -> memref<128xi32, #tpu.memory_space<vmem>>
      %dma_start3A_201 = arith.constant 0 : i32
      %dma_start3A_202 = arith.constant 0 : i32
      %dma_start3A_203 = tpu.memref_slice %arg4[%dma_start3A_201, %dma_start3A_202] : memref<10000x128xf32, #tpu.memory_space<hbm>> -> memref<10000x128xf32, #tpu.memory_space<hbm>>
      tpu.enqueue_indirect_dma source(%dma_start3A_203 : memref<10000x128xf32, #tpu.memory_space<hbm>>) target(%arg23 : memref<128x128xf32, #tpu.memory_space<vmem>>) offsets(%dma_start3A_200 : memref<128xi32, #tpu.memory_space<vmem>>) semaphore(%arg26 : memref<!tpu.dma_semaphore, #tpu.memory_space<semaphore_mem>>)
      %add3A_204 = arith.constant 1 : i32
      %add3A_205 = arith.addi %mul3A_162, %add3A_204 : i32
      %mul3A_206 = arith.constant 128 : i32
      %mul3A_207 = arith.muli %add3A_205, %mul3A_206 : i32
      %dma_wait3A_208 = tpu.memref_slice %arg20[%mul3A_207] : memref<10112xi32, #tpu.memory_space<vmem>> -> memref<128xi32, #tpu.memory_space<vmem>>
      %dma_wait3A_209 = arith.constant 0 : i32
      %dma_wait3A_210 = arith.constant 0 : i32
      %dma_wait3A_211 = tpu.memref_slice %arg4[%dma_wait3A_209, %dma_wait3A_210] : memref<10000x128xf32, #tpu.memory_space<hbm>> -> memref<10000x128xf32, #tpu.memory_space<hbm>>
      tpu.wait_indirect_dma semaphore(%arg27 : memref<!tpu.dma_semaphore, #tpu.memory_space<semaphore_mem>>) src(%dma_wait3A_211 : memref<10000x128xf32, #tpu.memory_space<hbm>>) dst(%arg24 : memref<128x128xf32, #tpu.memory_space<vmem>>)
      %add3A_212 = arith.constant 1 : i32
      %add3A_213 = arith.addi %mul3A_162, %add3A_212 : i32
      %mul3A_214 = arith.constant 128 : i32
      %mul3A_215 = arith.muli %add3A_213, %mul3A_214 : i32
      %add3A_216 = arith.addi %mul3A_2, %mul3A_215 : i32
      %dma_wait3A_217 = tpu.memref_slice %arg6[%add3A_216] : memref<323584xi32, #tpu.memory_space<hbm>> -> memref<128xi32, #tpu.memory_space<hbm>>
      %dma_wait3A_218 = tpu.memref_slice %arg6[%add3A_216] : memref<323584xi32, #tpu.memory_space<hbm>> -> memref<128xi32, #tpu.memory_space<hbm>>
      tpu.wait_dma2 semaphore(%arg29 : memref<!tpu.dma_semaphore, #tpu.memory_space<semaphore_mem>>) src(%dma_wait3A_218 : memref<128xi32, #tpu.memory_space<hbm>>) dst(%arg22 : memref<128xi32, #tpu.memory_space<vmem>>)
      %add3A_219 = arith.constant 1 : i32
      %add3A_220 = arith.addi %mul3A_162, %add3A_219 : i32
      "tpu.region"() ({
        %run_scoped3A = tpu.sem_alloc : memref<!tpu.dma_semaphore, #tpu.memory_space<semaphore_mem>>
        %dma_start3A_221 = arith.constant 0 : i32
        %dma_start3A_222 = arith.constant 0 : i32
        %dma_start3A_223 = tpu.memref_slice %arg25[%dma_start3A_221, %dma_start3A_222] : memref<10112x128xf32, #tpu.memory_space<vmem_shared>> -> memref<10112x128xf32, #tpu.memory_space<vmem_shared>>
        tpu.enqueue_indirect_dma source(%arg24 : memref<128x128xf32, #tpu.memory_space<vmem>>) target(%dma_start3A_223 : memref<10112x128xf32, #tpu.memory_space<vmem_shared>>) offsets(%arg22 : memref<128xi32, #tpu.memory_space<vmem>>) semaphore(%run_scoped3A : memref<!tpu.dma_semaphore, #tpu.memory_space<semaphore_mem>>) {add = true}
        %dma_wait3A_224 = arith.constant 0 : i32
        %dma_wait3A_225 = arith.constant 0 : i32
        %dma_wait3A_226 = tpu.memref_slice %arg25[%dma_wait3A_224, %dma_wait3A_225] : memref<10112x128xf32, #tpu.memory_space<vmem_shared>> -> memref<10112x128xf32, #tpu.memory_space<vmem_shared>>
        tpu.wait_indirect_dma semaphore(%run_scoped3A : memref<!tpu.dma_semaphore, #tpu.memory_space<semaphore_mem>>) src(%arg24 : memref<128x128xf32, #tpu.memory_space<vmem>>) dst(%dma_wait3A_226 : memref<10112x128xf32, #tpu.memory_space<vmem_shared>>)
        tpu.yield
      }) : () -> ()
    }
    %scan3A_85 = arith.constant 39 : i32
    %dma_wait3A_86 = arith.constant 9984 : i32
    %dma_wait3A_87 = tpu.memref_slice %arg20[%dma_wait3A_86] : memref<10112xi32, #tpu.memory_space<vmem>> -> memref<128xi32, #tpu.memory_space<vmem>>
    %dma_wait3A_88 = arith.constant 0 : i32
    %dma_wait3A_89 = arith.constant 0 : i32
    %dma_wait3A_90 = tpu.memref_slice %arg4[%dma_wait3A_88, %dma_wait3A_89] : memref<10000x128xf32, #tpu.memory_space<hbm>> -> memref<10000x128xf32, #tpu.memory_space<hbm>>
    tpu.wait_indirect_dma semaphore(%arg26 : memref<!tpu.dma_semaphore, #tpu.memory_space<semaphore_mem>>) src(%dma_wait3A_90 : memref<10000x128xf32, #tpu.memory_space<hbm>>) dst(%arg23 : memref<128x128xf32, #tpu.memory_space<vmem>>)
    %add3A_91 = arith.constant 9984 : i32
    %add3A_92 = arith.addi %mul3A_2, %add3A_91 : i32
    %dma_wait3A_93 = tpu.memref_slice %arg6[%add3A_92] : memref<323584xi32, #tpu.memory_space<hbm>> -> memref<128xi32, #tpu.memory_space<hbm>>
    %dma_wait3A_94 = tpu.memref_slice %arg6[%add3A_92] : memref<323584xi32, #tpu.memory_space<hbm>> -> memref<128xi32, #tpu.memory_space<hbm>>
    tpu.wait_dma2 semaphore(%arg28 : memref<!tpu.dma_semaphore, #tpu.memory_space<semaphore_mem>>) src(%dma_wait3A_94 : memref<128xi32, #tpu.memory_space<hbm>>) dst(%arg21 : memref<128xi32, #tpu.memory_space<vmem>>)
    "tpu.region"() ({
      %run_scoped3A = tpu.sem_alloc : memref<!tpu.dma_semaphore, #tpu.memory_space<semaphore_mem>>
      %dma_start3A_160 = arith.constant 0 : i32
      %dma_start3A_161 = arith.constant 0 : i32
      %dma_start3A_162 = tpu.memref_slice %arg25[%dma_start3A_160, %dma_start3A_161] : memref<10112x128xf32, #tpu.memory_space<vmem_shared>> -> memref<10112x128xf32, #tpu.memory_space<vmem_shared>>
      tpu.enqueue_indirect_dma source(%arg23 : memref<128x128xf32, #tpu.memory_space<vmem>>) target(%dma_start3A_162 : memref<10112x128xf32, #tpu.memory_space<vmem_shared>>) offsets(%arg21 : memref<128xi32, #tpu.memory_space<vmem>>) semaphore(%run_scoped3A : memref<!tpu.dma_semaphore, #tpu.memory_space<semaphore_mem>>) {add = true}
      %dma_wait3A_163 = arith.constant 0 : i32
      %dma_wait3A_164 = arith.constant 0 : i32
      %dma_wait3A_165 = tpu.memref_slice %arg25[%dma_wait3A_163, %dma_wait3A_164] : memref<10112x128xf32, #tpu.memory_space<vmem_shared>> -> memref<10112x128xf32, #tpu.memory_space<vmem_shared>>
      tpu.wait_indirect_dma semaphore(%run_scoped3A : memref<!tpu.dma_semaphore, #tpu.memory_space<semaphore_mem>>) src(%arg23 : memref<128x128xf32, #tpu.memory_space<vmem>>) dst(%dma_wait3A_165 : memref<10112x128xf32, #tpu.memory_space<vmem_shared>>)
      tpu.yield
    }) : () -> ()
    %barrier3A_95 = arith.constant 0 : index
    tpu.barrier barrier_id(%barrier3A_95)
    %eq3A_96 = arith.constant 0 : i32
    %eq3A_97 = arith.cmpi eq, %arg0, %eq3A_96 : i32
    %convert_element_type3A_98 = arith.extui %eq3A_97 : i1 to i32
    %cond3A_99 = arith.constant 0 : i32
    %cond3A_100 = arith.cmpi ne, %convert_element_type3A_98, %cond3A_99 : i32
    scf.if %cond3A_100 {
      "tpu.region"() ({
        %run_scoped3A = tpu.sem_alloc : memref<!tpu.dma_semaphore, #tpu.memory_space<semaphore_mem>>
        %dma_start3A_160 = arith.constant 0 : i32
        %dma_start3A_161 = tpu.memref_slice %arg12[%mul3A_4, %dma_start3A_160] : memref<10112x128xf32, #tpu.memory_space<hbm>> -> memref<632x128xf32, #tpu.memory_space<hbm>>
        %dma_start3A_162 = arith.constant 0 : i32
        %dma_start3A_163 = tpu.memref_slice %arg25[%mul3A_4, %dma_start3A_162] : memref<10112x128xf32, #tpu.memory_space<vmem_shared>> -> memref<632x128xf32, #tpu.memory_space<vmem_shared>>
        tpu.enqueue_dma source(%dma_start3A_163 : memref<632x128xf32, #tpu.memory_space<vmem_shared>>) target(%dma_start3A_161 : memref<632x128xf32, #tpu.memory_space<hbm>>) target_semaphore(%run_scoped3A : memref<!tpu.dma_semaphore, #tpu.memory_space<semaphore_mem>>)
        %dma_wait3A_164 = arith.constant 0 : i32
        %dma_wait3A_165 = tpu.memref_slice %arg12[%mul3A_4, %dma_wait3A_164] : memref<10112x128xf32, #tpu.memory_space<hbm>> -> memref<632x128xf32, #tpu.memory_space<hbm>>
        %dma_wait3A_166 = arith.constant 0 : i32
        %dma_wait3A_167 = tpu.memref_slice %arg25[%mul3A_4, %dma_wait3A_166] : memref<10112x128xf32, #tpu.memory_space<vmem_shared>> -> memref<632x128xf32, #tpu.memory_space<vmem_shared>>
        tpu.wait_dma2 semaphore(%run_scoped3A : memref<!tpu.dma_semaphore, #tpu.memory_space<semaphore_mem>>) src(%dma_wait3A_167 : memref<632x128xf32, #tpu.memory_space<vmem_shared>>) dst(%dma_wait3A_165 : memref<632x128xf32, #tpu.memory_space<hbm>>)
        tpu.yield
      }) : () -> ()
    } else {
    }
    %eq3A_101 = arith.constant 1 : i32
    %eq3A_102 = arith.cmpi eq, %arg0, %eq3A_101 : i32
    %convert_element_type3A_103 = arith.extui %eq3A_102 : i1 to i32
    %cond3A_104 = arith.constant 0 : i32
    %cond3A_105 = arith.cmpi ne, %convert_element_type3A_103, %cond3A_104 : i32
    scf.if %cond3A_105 {
      "tpu.region"() ({
        %run_scoped3A = tpu.sem_alloc : memref<!tpu.dma_semaphore, #tpu.memory_space<semaphore_mem>>
        %dma_start3A_160 = arith.constant 0 : i32
        %dma_start3A_161 = tpu.memref_slice %arg17[%mul3A_4, %dma_start3A_160] : memref<10112x128xf32, #tpu.memory_space<hbm>> -> memref<632x128xf32, #tpu.memory_space<hbm>>
        %dma_start3A_162 = arith.constant 0 : i32
        %dma_start3A_163 = tpu.memref_slice %arg25[%mul3A_4, %dma_start3A_162] : memref<10112x128xf32, #tpu.memory_space<vmem_shared>> -> memref<632x128xf32, #tpu.memory_space<vmem_shared>>
        tpu.enqueue_dma source(%dma_start3A_163 : memref<632x128xf32, #tpu.memory_space<vmem_shared>>) target(%dma_start3A_161 : memref<632x128xf32, #tpu.memory_space<hbm>>) target_semaphore(%run_scoped3A : memref<!tpu.dma_semaphore, #tpu.memory_space<semaphore_mem>>)
        %dma_wait3A_164 = arith.constant 0 : i32
        %dma_wait3A_165 = tpu.memref_slice %arg17[%mul3A_4, %dma_wait3A_164] : memref<10112x128xf32, #tpu.memory_space<hbm>> -> memref<632x128xf32, #tpu.memory_space<hbm>>
        %dma_wait3A_166 = arith.constant 0 : i32
        %dma_wait3A_167 = tpu.memref_slice %arg25[%mul3A_4, %dma_wait3A_166] : memref<10112x128xf32, #tpu.memory_space<vmem_shared>> -> memref<632x128xf32, #tpu.memory_space<vmem_shared>>
        tpu.wait_dma2 semaphore(%run_scoped3A : memref<!tpu.dma_semaphore, #tpu.memory_space<semaphore_mem>>) src(%dma_wait3A_167 : memref<632x128xf32, #tpu.memory_space<vmem_shared>>) dst(%dma_wait3A_165 : memref<632x128xf32, #tpu.memory_space<hbm>>)
        tpu.yield
      }) : () -> ()
    } else {
    }
    "tpu.region"() ({
      %run_scoped3A = tpu.sem_alloc : memref<!tpu.dma_semaphore, #tpu.memory_space<semaphore_mem>>
      %dma_start3A_160 = arith.constant 0 : i32
      %dma_start3A_161 = tpu.memref_slice %arg25[%mul3A_4, %dma_start3A_160] : memref<10112x128xf32, #tpu.memory_space<vmem_shared>> -> memref<632x128xf32, #tpu.memory_space<vmem_shared>>
      %dma_start3A_162 = arith.constant 0 : i32
      %dma_start3A_163 = tpu.memref_slice %arg8[%mul3A_4, %dma_start3A_162] : memref<10112x128xf32, #tpu.memory_space<hbm>> -> memref<632x128xf32, #tpu.memory_space<hbm>>
      tpu.enqueue_dma source(%dma_start3A_163 : memref<632x128xf32, #tpu.memory_space<hbm>>) target(%dma_start3A_161 : memref<632x128xf32, #tpu.memory_space<vmem_shared>>) target_semaphore(%run_scoped3A : memref<!tpu.dma_semaphore, #tpu.memory_space<semaphore_mem>>)
      %dma_wait3A_164 = arith.constant 0 : i32
      %dma_wait3A_165 = tpu.memref_slice %arg25[%mul3A_4, %dma_wait3A_164] : memref<10112x128xf32, #tpu.memory_space<vmem_shared>> -> memref<632x128xf32, #tpu.memory_space<vmem_shared>>
      %dma_wait3A_166 = arith.constant 0 : i32
      %dma_wait3A_167 = tpu.memref_slice %arg8[%mul3A_4, %dma_wait3A_166] : memref<10112x128xf32, #tpu.memory_space<hbm>> -> memref<632x128xf32, #tpu.memory_space<hbm>>
      tpu.wait_dma2 semaphore(%run_scoped3A : memref<!tpu.dma_semaphore, #tpu.memory_space<semaphore_mem>>) src(%dma_wait3A_167 : memref<632x128xf32, #tpu.memory_space<hbm>>) dst(%dma_wait3A_165 : memref<632x128xf32, #tpu.memory_space<vmem_shared>>)
      tpu.yield
    }) : () -> ()
    %barrier3A_106 = arith.constant 0 : index
    tpu.barrier barrier_id(%barrier3A_106)
    %add3A_107 = arith.constant 0 : i32
    %add3A_108 = arith.addi %mul3A_2, %add3A_107 : i32
    %dma_start3A_109 = tpu.memref_slice %arg6[%add3A_108] : memref<323584xi32, #tpu.memory_space<hbm>> -> memref<128xi32, #tpu.memory_space<hbm>>
    %dma_start3A_110 = tpu.memref_slice %arg6[%add3A_108] : memref<323584xi32, #tpu.memory_space<hbm>> -> memref<128xi32, #tpu.memory_space<hbm>>
    tpu.enqueue_dma source(%dma_start3A_110 : memref<128xi32, #tpu.memory_space<hbm>>) target(%arg21 : memref<128xi32, #tpu.memory_space<vmem>>) target_semaphore(%arg28 : memref<!tpu.dma_semaphore, #tpu.memory_space<semaphore_mem>>)
    %dma_start3A_111 = arith.constant 0 : i32
    %dma_start3A_112 = tpu.memref_slice %arg20[%dma_start3A_111] : memref<10112xi32, #tpu.memory_space<vmem>> -> memref<128xi32, #tpu.memory_space<vmem>>
    %dma_start3A_113 = arith.constant 0 : i32
    %dma_start3A_114 = arith.constant 0 : i32
    %dma_start3A_115 = tpu.memref_slice %arg5[%dma_start3A_113, %dma_start3A_114] : memref<10000x128xf32, #tpu.memory_space<hbm>> -> memref<10000x128xf32, #tpu.memory_space<hbm>>
    tpu.enqueue_indirect_dma source(%dma_start3A_115 : memref<10000x128xf32, #tpu.memory_space<hbm>>) target(%arg23 : memref<128x128xf32, #tpu.memory_space<vmem>>) offsets(%dma_start3A_112 : memref<128xi32, #tpu.memory_space<vmem>>) semaphore(%arg26 : memref<!tpu.dma_semaphore, #tpu.memory_space<semaphore_mem>>)
    %scan3A_116 = arith.constant 0 : i32
    %scan3A_117 = arith.constant 0 : i32
    %scan3A_118 = arith.constant 39 : i32
    %scan3A_119 = arith.addi %scan3A_117, %scan3A_118 : i32
    %scan3A_120 = arith.constant 1 : i32
    scf.for %scan3A_160 = %scan3A_117 to %scan3A_119 step %scan3A_120  : i32 {
      %mul3A_161 = arith.constant 2 : i32
      %mul3A_162 = arith.muli %mul3A_161, %scan3A_160 : i32
      %add3A_163 = arith.constant 1 : i32
      %add3A_164 = arith.addi %mul3A_162, %add3A_163 : i32
      %mul3A_165 = arith.constant 128 : i32
      %mul3A_166 = arith.muli %add3A_164, %mul3A_165 : i32
      %add3A_167 = arith.addi %mul3A_2, %mul3A_166 : i32
      %dma_start3A_168 = tpu.memref_slice %arg6[%add3A_167] : memref<323584xi32, #tpu.memory_space<hbm>> -> memref<128xi32, #tpu.memory_space<hbm>>
      %dma_start3A_169 = tpu.memref_slice %arg6[%add3A_167] : memref<323584xi32, #tpu.memory_space<hbm>> -> memref<128xi32, #tpu.memory_space<hbm>>
      tpu.enqueue_dma source(%dma_start3A_169 : memref<128xi32, #tpu.memory_space<hbm>>) target(%arg22 : memref<128xi32, #tpu.memory_space<vmem>>) target_semaphore(%arg29 : memref<!tpu.dma_semaphore, #tpu.memory_space<semaphore_mem>>)
      %add3A_170 = arith.constant 1 : i32
      %add3A_171 = arith.addi %mul3A_162, %add3A_170 : i32
      %mul3A_172 = arith.constant 128 : i32
      %mul3A_173 = arith.muli %add3A_171, %mul3A_172 : i32
      %dma_start3A_174 = tpu.memref_slice %arg20[%mul3A_173] : memref<10112xi32, #tpu.memory_space<vmem>> -> memref<128xi32, #tpu.memory_space<vmem>>
      %dma_start3A_175 = arith.constant 0 : i32
      %dma_start3A_176 = arith.constant 0 : i32
      %dma_start3A_177 = tpu.memref_slice %arg5[%dma_start3A_175, %dma_start3A_176] : memref<10000x128xf32, #tpu.memory_space<hbm>> -> memref<10000x128xf32, #tpu.memory_space<hbm>>
      tpu.enqueue_indirect_dma source(%dma_start3A_177 : memref<10000x128xf32, #tpu.memory_space<hbm>>) target(%arg24 : memref<128x128xf32, #tpu.memory_space<vmem>>) offsets(%dma_start3A_174 : memref<128xi32, #tpu.memory_space<vmem>>) semaphore(%arg27 : memref<!tpu.dma_semaphore, #tpu.memory_space<semaphore_mem>>)
      %mul3A_178 = arith.constant 128 : i32
      %mul3A_179 = arith.muli %mul3A_162, %mul3A_178 : i32
      %dma_wait3A_180 = tpu.memref_slice %arg20[%mul3A_179] : memref<10112xi32, #tpu.memory_space<vmem>> -> memref<128xi32, #tpu.memory_space<vmem>>
      %dma_wait3A_181 = arith.constant 0 : i32
      %dma_wait3A_182 = arith.constant 0 : i32
      %dma_wait3A_183 = tpu.memref_slice %arg5[%dma_wait3A_181, %dma_wait3A_182] : memref<10000x128xf32, #tpu.memory_space<hbm>> -> memref<10000x128xf32, #tpu.memory_space<hbm>>
      tpu.wait_indirect_dma semaphore(%arg26 : memref<!tpu.dma_semaphore, #tpu.memory_space<semaphore_mem>>) src(%dma_wait3A_183 : memref<10000x128xf32, #tpu.memory_space<hbm>>) dst(%arg23 : memref<128x128xf32, #tpu.memory_space<vmem>>)
      %mul3A_184 = arith.constant 128 : i32
      %mul3A_185 = arith.muli %mul3A_162, %mul3A_184 : i32
      %add3A_186 = arith.addi %mul3A_2, %mul3A_185 : i32
      %dma_wait3A_187 = tpu.memref_slice %arg6[%add3A_186] : memref<323584xi32, #tpu.memory_space<hbm>> -> memref<128xi32, #tpu.memory_space<hbm>>
      %dma_wait3A_188 = tpu.memref_slice %arg6[%add3A_186] : memref<323584xi32, #tpu.memory_space<hbm>> -> memref<128xi32, #tpu.memory_space<hbm>>
      tpu.wait_dma2 semaphore(%arg28 : memref<!tpu.dma_semaphore, #tpu.memory_space<semaphore_mem>>) src(%dma_wait3A_188 : memref<128xi32, #tpu.memory_space<hbm>>) dst(%arg21 : memref<128xi32, #tpu.memory_space<vmem>>)
      "tpu.region"() ({
        %run_scoped3A = tpu.sem_alloc : memref<!tpu.dma_semaphore, #tpu.memory_space<semaphore_mem>>
        %dma_start3A_221 = arith.constant 0 : i32
        %dma_start3A_222 = arith.constant 0 : i32
        %dma_start3A_223 = tpu.memref_slice %arg25[%dma_start3A_221, %dma_start3A_222] : memref<10112x128xf32, #tpu.memory_space<vmem_shared>> -> memref<10112x128xf32, #tpu.memory_space<vmem_shared>>
        tpu.enqueue_indirect_dma source(%arg23 : memref<128x128xf32, #tpu.memory_space<vmem>>) target(%dma_start3A_223 : memref<10112x128xf32, #tpu.memory_space<vmem_shared>>) offsets(%arg21 : memref<128xi32, #tpu.memory_space<vmem>>) semaphore(%run_scoped3A : memref<!tpu.dma_semaphore, #tpu.memory_space<semaphore_mem>>) {add = true}
        %dma_wait3A_224 = arith.constant 0 : i32
        %dma_wait3A_225 = arith.constant 0 : i32
        %dma_wait3A_226 = tpu.memref_slice %arg25[%dma_wait3A_224, %dma_wait3A_225] : memref<10112x128xf32, #tpu.memory_space<vmem_shared>> -> memref<10112x128xf32, #tpu.memory_space<vmem_shared>>
        tpu.wait_indirect_dma semaphore(%run_scoped3A : memref<!tpu.dma_semaphore, #tpu.memory_space<semaphore_mem>>) src(%arg23 : memref<128x128xf32, #tpu.memory_space<vmem>>) dst(%dma_wait3A_226 : memref<10112x128xf32, #tpu.memory_space<vmem_shared>>)
        tpu.yield
      }) : () -> ()
      %add3A_189 = arith.constant 2 : i32
      %add3A_190 = arith.addi %mul3A_162, %add3A_189 : i32
      %mul3A_191 = arith.constant 128 : i32
      %mul3A_192 = arith.muli %add3A_190, %mul3A_191 : i32
      %add3A_193 = arith.addi %mul3A_2, %mul3A_192 : i32
      %dma_start3A_194 = tpu.memref_slice %arg6[%add3A_193] : memref<323584xi32, #tpu.memory_space<hbm>> -> memref<128xi32, #tpu.memory_space<hbm>>
      %dma_start3A_195 = tpu.memref_slice %arg6[%add3A_193] : memref<323584xi32, #tpu.memory_space<hbm>> -> memref<128xi32, #tpu.memory_space<hbm>>
      tpu.enqueue_dma source(%dma_start3A_195 : memref<128xi32, #tpu.memory_space<hbm>>) target(%arg21 : memref<128xi32, #tpu.memory_space<vmem>>) target_semaphore(%arg28 : memref<!tpu.dma_semaphore, #tpu.memory_space<semaphore_mem>>)
      %add3A_196 = arith.constant 2 : i32
      %add3A_197 = arith.addi %mul3A_162, %add3A_196 : i32
      %mul3A_198 = arith.constant 128 : i32
      %mul3A_199 = arith.muli %add3A_197, %mul3A_198 : i32
      %dma_start3A_200 = tpu.memref_slice %arg20[%mul3A_199] : memref<10112xi32, #tpu.memory_space<vmem>> -> memref<128xi32, #tpu.memory_space<vmem>>
      %dma_start3A_201 = arith.constant 0 : i32
      %dma_start3A_202 = arith.constant 0 : i32
      %dma_start3A_203 = tpu.memref_slice %arg5[%dma_start3A_201, %dma_start3A_202] : memref<10000x128xf32, #tpu.memory_space<hbm>> -> memref<10000x128xf32, #tpu.memory_space<hbm>>
      tpu.enqueue_indirect_dma source(%dma_start3A_203 : memref<10000x128xf32, #tpu.memory_space<hbm>>) target(%arg23 : memref<128x128xf32, #tpu.memory_space<vmem>>) offsets(%dma_start3A_200 : memref<128xi32, #tpu.memory_space<vmem>>) semaphore(%arg26 : memref<!tpu.dma_semaphore, #tpu.memory_space<semaphore_mem>>)
      %add3A_204 = arith.constant 1 : i32
      %add3A_205 = arith.addi %mul3A_162, %add3A_204 : i32
      %mul3A_206 = arith.constant 128 : i32
      %mul3A_207 = arith.muli %add3A_205, %mul3A_206 : i32
      %dma_wait3A_208 = tpu.memref_slice %arg20[%mul3A_207] : memref<10112xi32, #tpu.memory_space<vmem>> -> memref<128xi32, #tpu.memory_space<vmem>>
      %dma_wait3A_209 = arith.constant 0 : i32
      %dma_wait3A_210 = arith.constant 0 : i32
      %dma_wait3A_211 = tpu.memref_slice %arg5[%dma_wait3A_209, %dma_wait3A_210] : memref<10000x128xf32, #tpu.memory_space<hbm>> -> memref<10000x128xf32, #tpu.memory_space<hbm>>
      tpu.wait_indirect_dma semaphore(%arg27 : memref<!tpu.dma_semaphore, #tpu.memory_space<semaphore_mem>>) src(%dma_wait3A_211 : memref<10000x128xf32, #tpu.memory_space<hbm>>) dst(%arg24 : memref<128x128xf32, #tpu.memory_space<vmem>>)
      %add3A_212 = arith.constant 1 : i32
      %add3A_213 = arith.addi %mul3A_162, %add3A_212 : i32
      %mul3A_214 = arith.constant 128 : i32
      %mul3A_215 = arith.muli %add3A_213, %mul3A_214 : i32
      %add3A_216 = arith.addi %mul3A_2, %mul3A_215 : i32
      %dma_wait3A_217 = tpu.memref_slice %arg6[%add3A_216] : memref<323584xi32, #tpu.memory_space<hbm>> -> memref<128xi32, #tpu.memory_space<hbm>>
      %dma_wait3A_218 = tpu.memref_slice %arg6[%add3A_216] : memref<323584xi32, #tpu.memory_space<hbm>> -> memref<128xi32, #tpu.memory_space<hbm>>
      tpu.wait_dma2 semaphore(%arg29 : memref<!tpu.dma_semaphore, #tpu.memory_space<semaphore_mem>>) src(%dma_wait3A_218 : memref<128xi32, #tpu.memory_space<hbm>>) dst(%arg22 : memref<128xi32, #tpu.memory_space<vmem>>)
      %add3A_219 = arith.constant 1 : i32
      %add3A_220 = arith.addi %mul3A_162, %add3A_219 : i32
      "tpu.region"() ({
        %run_scoped3A = tpu.sem_alloc : memref<!tpu.dma_semaphore, #tpu.memory_space<semaphore_mem>>
        %dma_start3A_221 = arith.constant 0 : i32
        %dma_start3A_222 = arith.constant 0 : i32
        %dma_start3A_223 = tpu.memref_slice %arg25[%dma_start3A_221, %dma_start3A_222] : memref<10112x128xf32, #tpu.memory_space<vmem_shared>> -> memref<10112x128xf32, #tpu.memory_space<vmem_shared>>
        tpu.enqueue_indirect_dma source(%arg24 : memref<128x128xf32, #tpu.memory_space<vmem>>) target(%dma_start3A_223 : memref<10112x128xf32, #tpu.memory_space<vmem_shared>>) offsets(%arg22 : memref<128xi32, #tpu.memory_space<vmem>>) semaphore(%run_scoped3A : memref<!tpu.dma_semaphore, #tpu.memory_space<semaphore_mem>>) {add = true}
        %dma_wait3A_224 = arith.constant 0 : i32
        %dma_wait3A_225 = arith.constant 0 : i32
        %dma_wait3A_226 = tpu.memref_slice %arg25[%dma_wait3A_224, %dma_wait3A_225] : memref<10112x128xf32, #tpu.memory_space<vmem_shared>> -> memref<10112x128xf32, #tpu.memory_space<vmem_shared>>
        tpu.wait_indirect_dma semaphore(%run_scoped3A : memref<!tpu.dma_semaphore, #tpu.memory_space<semaphore_mem>>) src(%arg24 : memref<128x128xf32, #tpu.memory_space<vmem>>) dst(%dma_wait3A_226 : memref<10112x128xf32, #tpu.memory_space<vmem_shared>>)
        tpu.yield
      }) : () -> ()
    }
    %scan3A_121 = arith.constant 39 : i32
    %dma_wait3A_122 = arith.constant 9984 : i32
    %dma_wait3A_123 = tpu.memref_slice %arg20[%dma_wait3A_122] : memref<10112xi32, #tpu.memory_space<vmem>> -> memref<128xi32, #tpu.memory_space<vmem>>
    %dma_wait3A_124 = arith.constant 0 : i32
    %dma_wait3A_125 = arith.constant 0 : i32
    %dma_wait3A_126 = tpu.memref_slice %arg5[%dma_wait3A_124, %dma_wait3A_125] : memref<10000x128xf32, #tpu.memory_space<hbm>> -> memref<10000x128xf32, #tpu.memory_space<hbm>>
    tpu.wait_indirect_dma semaphore(%arg26 : memref<!tpu.dma_semaphore, #tpu.memory_space<semaphore_mem>>) src(%dma_wait3A_126 : memref<10000x128xf32, #tpu.memory_space<hbm>>) dst(%arg23 : memref<128x128xf32, #tpu.memory_space<vmem>>)
    %add3A_127 = arith.constant 9984 : i32
    %add3A_128 = arith.addi %mul3A_2, %add3A_127 : i32
    %dma_wait3A_129 = tpu.memref_slice %arg6[%add3A_128] : memref<323584xi32, #tpu.memory_space<hbm>> -> memref<128xi32, #tpu.memory_space<hbm>>
    %dma_wait3A_130 = tpu.memref_slice %arg6[%add3A_128] : memref<323584xi32, #tpu.memory_space<hbm>> -> memref<128xi32, #tpu.memory_space<hbm>>
    tpu.wait_dma2 semaphore(%arg28 : memref<!tpu.dma_semaphore, #tpu.memory_space<semaphore_mem>>) src(%dma_wait3A_130 : memref<128xi32, #tpu.memory_space<hbm>>) dst(%arg21 : memref<128xi32, #tpu.memory_space<vmem>>)
    "tpu.region"() ({
      %run_scoped3A = tpu.sem_alloc : memref<!tpu.dma_semaphore, #tpu.memory_space<semaphore_mem>>
      %dma_start3A_160 = arith.constant 0 : i32
      %dma_start3A_161 = arith.constant 0 : i32
      %dma_start3A_162 = tpu.memref_slice %arg25[%dma_start3A_160, %dma_start3A_161] : memref<10112x128xf32, #tpu.memory_space<vmem_shared>> -> memref<10112x128xf32, #tpu.memory_space<vmem_shared>>
      tpu.enqueue_indirect_dma source(%arg23 : memref<128x128xf32, #tpu.memory_space<vmem>>) target(%dma_start3A_162 : memref<10112x128xf32, #tpu.memory_space<vmem_shared>>) offsets(%arg21 : memref<128xi32, #tpu.memory_space<vmem>>) semaphore(%run_scoped3A : memref<!tpu.dma_semaphore, #tpu.memory_space<semaphore_mem>>) {add = true}
      %dma_wait3A_163 = arith.constant 0 : i32
      %dma_wait3A_164 = arith.constant 0 : i32
      %dma_wait3A_165 = tpu.memref_slice %arg25[%dma_wait3A_163, %dma_wait3A_164] : memref<10112x128xf32, #tpu.memory_space<vmem_shared>> -> memref<10112x128xf32, #tpu.memory_space<vmem_shared>>
      tpu.wait_indirect_dma semaphore(%run_scoped3A : memref<!tpu.dma_semaphore, #tpu.memory_space<semaphore_mem>>) src(%arg23 : memref<128x128xf32, #tpu.memory_space<vmem>>) dst(%dma_wait3A_165 : memref<10112x128xf32, #tpu.memory_space<vmem_shared>>)
      tpu.yield
    }) : () -> ()
    %barrier3A_131 = arith.constant 0 : index
    tpu.barrier barrier_id(%barrier3A_131)
    %eq3A_132 = arith.constant 0 : i32
    %eq3A_133 = arith.cmpi eq, %arg0, %eq3A_132 : i32
    %convert_element_type3A_134 = arith.extui %eq3A_133 : i1 to i32
    %cond3A_135 = arith.constant 0 : i32
    %cond3A_136 = arith.cmpi ne, %convert_element_type3A_134, %cond3A_135 : i32
    scf.if %cond3A_136 {
      "tpu.region"() ({
        %run_scoped3A = tpu.sem_alloc : memref<!tpu.dma_semaphore, #tpu.memory_space<semaphore_mem>>
        %dma_start3A_160 = arith.constant 0 : i32
        %dma_start3A_161 = tpu.memref_slice %arg13[%mul3A_4, %dma_start3A_160] : memref<10112x128xf32, #tpu.memory_space<hbm>> -> memref<632x128xf32, #tpu.memory_space<hbm>>
        %dma_start3A_162 = arith.constant 0 : i32
        %dma_start3A_163 = tpu.memref_slice %arg25[%mul3A_4, %dma_start3A_162] : memref<10112x128xf32, #tpu.memory_space<vmem_shared>> -> memref<632x128xf32, #tpu.memory_space<vmem_shared>>
        tpu.enqueue_dma source(%dma_start3A_163 : memref<632x128xf32, #tpu.memory_space<vmem_shared>>) target(%dma_start3A_161 : memref<632x128xf32, #tpu.memory_space<hbm>>) target_semaphore(%run_scoped3A : memref<!tpu.dma_semaphore, #tpu.memory_space<semaphore_mem>>)
        %dma_wait3A_164 = arith.constant 0 : i32
        %dma_wait3A_165 = tpu.memref_slice %arg13[%mul3A_4, %dma_wait3A_164] : memref<10112x128xf32, #tpu.memory_space<hbm>> -> memref<632x128xf32, #tpu.memory_space<hbm>>
        %dma_wait3A_166 = arith.constant 0 : i32
        %dma_wait3A_167 = tpu.memref_slice %arg25[%mul3A_4, %dma_wait3A_166] : memref<10112x128xf32, #tpu.memory_space<vmem_shared>> -> memref<632x128xf32, #tpu.memory_space<vmem_shared>>
        tpu.wait_dma2 semaphore(%run_scoped3A : memref<!tpu.dma_semaphore, #tpu.memory_space<semaphore_mem>>) src(%dma_wait3A_167 : memref<632x128xf32, #tpu.memory_space<vmem_shared>>) dst(%dma_wait3A_165 : memref<632x128xf32, #tpu.memory_space<hbm>>)
        tpu.yield
      }) : () -> ()
    } else {
    }
    %eq3A_137 = arith.constant 1 : i32
    %eq3A_138 = arith.cmpi eq, %arg0, %eq3A_137 : i32
    %convert_element_type3A_139 = arith.extui %eq3A_138 : i1 to i32
    %cond3A_140 = arith.constant 0 : i32
    %cond3A_141 = arith.cmpi ne, %convert_element_type3A_139, %cond3A_140 : i32
    scf.if %cond3A_141 {
      "tpu.region"() ({
        %run_scoped3A = tpu.sem_alloc : memref<!tpu.dma_semaphore, #tpu.memory_space<semaphore_mem>>
        %dma_start3A_160 = arith.constant 0 : i32
        %dma_start3A_161 = tpu.memref_slice %arg18[%mul3A_4, %dma_start3A_160] : memref<10112x128xf32, #tpu.memory_space<hbm>> -> memref<632x128xf32, #tpu.memory_space<hbm>>
        %dma_start3A_162 = arith.constant 0 : i32
        %dma_start3A_163 = tpu.memref_slice %arg25[%mul3A_4, %dma_start3A_162] : memref<10112x128xf32, #tpu.memory_space<vmem_shared>> -> memref<632x128xf32, #tpu.memory_space<vmem_shared>>
        tpu.enqueue_dma source(%dma_start3A_163 : memref<632x128xf32, #tpu.memory_space<vmem_shared>>) target(%dma_start3A_161 : memref<632x128xf32, #tpu.memory_space<hbm>>) target_semaphore(%run_scoped3A : memref<!tpu.dma_semaphore, #tpu.memory_space<semaphore_mem>>)
        %dma_wait3A_164 = arith.constant 0 : i32
        %dma_wait3A_165 = tpu.memref_slice %arg18[%mul3A_4, %dma_wait3A_164] : memref<10112x128xf32, #tpu.memory_space<hbm>> -> memref<632x128xf32, #tpu.memory_space<hbm>>
        %dma_wait3A_166 = arith.constant 0 : i32
        %dma_wait3A_167 = tpu.memref_slice %arg25[%mul3A_4, %dma_wait3A_166] : memref<10112x128xf32, #tpu.memory_space<vmem_shared>> -> memref<632x128xf32, #tpu.memory_space<vmem_shared>>
        tpu.wait_dma2 semaphore(%run_scoped3A : memref<!tpu.dma_semaphore, #tpu.memory_space<semaphore_mem>>) src(%dma_wait3A_167 : memref<632x128xf32, #tpu.memory_space<vmem_shared>>) dst(%dma_wait3A_165 : memref<632x128xf32, #tpu.memory_space<hbm>>)
        tpu.yield
      }) : () -> ()
    } else {
    }
    "tpu.region"() ({
      %run_scoped3A = tpu.sem_alloc : memref<!tpu.dma_semaphore, #tpu.memory_space<semaphore_mem>>
      %dma_start3A_160 = arith.constant 0 : i32
      %dma_start3A_161 = tpu.memref_slice %arg25[%mul3A_4, %dma_start3A_160] : memref<10112x128xf32, #tpu.memory_space<vmem_shared>> -> memref<632x128xf32, #tpu.memory_space<vmem_shared>>
      %dma_start3A_162 = arith.constant 0 : i32
      %dma_start3A_163 = tpu.memref_slice %arg8[%mul3A_4, %dma_start3A_162] : memref<10112x128xf32, #tpu.memory_space<hbm>> -> memref<632x128xf32, #tpu.memory_space<hbm>>
      tpu.enqueue_dma source(%dma_start3A_163 : memref<632x128xf32, #tpu.memory_space<hbm>>) target(%dma_start3A_161 : memref<632x128xf32, #tpu.memory_space<vmem_shared>>) target_semaphore(%run_scoped3A : memref<!tpu.dma_semaphore, #tpu.memory_space<semaphore_mem>>)
      %dma_wait3A_164 = arith.constant 0 : i32
      %dma_wait3A_165 = tpu.memref_slice %arg25[%mul3A_4, %dma_wait3A_164] : memref<10112x128xf32, #tpu.memory_space<vmem_shared>> -> memref<632x128xf32, #tpu.memory_space<vmem_shared>>
      %dma_wait3A_166 = arith.constant 0 : i32
      %dma_wait3A_167 = tpu.memref_slice %arg8[%mul3A_4, %dma_wait3A_166] : memref<10112x128xf32, #tpu.memory_space<hbm>> -> memref<632x128xf32, #tpu.memory_space<hbm>>
      tpu.wait_dma2 semaphore(%run_scoped3A : memref<!tpu.dma_semaphore, #tpu.memory_space<semaphore_mem>>) src(%dma_wait3A_167 : memref<632x128xf32, #tpu.memory_space<hbm>>) dst(%dma_wait3A_165 : memref<632x128xf32, #tpu.memory_space<vmem_shared>>)
      tpu.yield
    }) : () -> ()
    %barrier3A_142 = arith.constant 0 : index
    tpu.barrier barrier_id(%barrier3A_142)
    "tpu.region"() ({
      %run_scoped3A = tpu.sem_alloc : memref<!tpu.dma_semaphore, #tpu.memory_space<semaphore_mem>>
      tpu.enqueue_dma source(%arg9 : memref<128x128xf32, #tpu.memory_space<hbm>>) target(%arg23 : memref<128x128xf32, #tpu.memory_space<vmem>>) target_semaphore(%run_scoped3A : memref<!tpu.dma_semaphore, #tpu.memory_space<semaphore_mem>>)
      tpu.wait_dma2 semaphore(%run_scoped3A : memref<!tpu.dma_semaphore, #tpu.memory_space<semaphore_mem>>) src(%arg9 : memref<128x128xf32, #tpu.memory_space<hbm>>) dst(%arg23 : memref<128x128xf32, #tpu.memory_space<vmem>>)
      tpu.yield
    }) : () -> ()
    %scan3A_143 = arith.constant 0 : i32
    %scan3A_144 = arith.constant 0 : i32
    %scan3A_145 = arith.constant 79 : i32
    %scan3A_146 = arith.addi %scan3A_144, %scan3A_145 : i32
    %scan3A_147 = arith.constant 1 : i32
    scf.for %scan3A_160 = %scan3A_144 to %scan3A_146 step %scan3A_147  : i32 {
      %mul3A_161 = arith.constant 128 : i32
      %mul3A_162 = arith.muli %scan3A_160, %mul3A_161 : i32
      %add3A_163 = arith.addi %mul3A_2, %mul3A_162 : i32
      "tpu.region"() ({
        %run_scoped3A = tpu.sem_alloc : memref<!tpu.dma_semaphore, #tpu.memory_space<semaphore_mem>>
        %dma_start3A_164 = tpu.memref_slice %arg6[%add3A_163] : memref<323584xi32, #tpu.memory_space<hbm>> -> memref<128xi32, #tpu.memory_space<hbm>>
        %dma_start3A_165 = tpu.memref_slice %arg6[%add3A_163] : memref<323584xi32, #tpu.memory_space<hbm>> -> memref<128xi32, #tpu.memory_space<hbm>>
        tpu.enqueue_dma source(%dma_start3A_165 : memref<128xi32, #tpu.memory_space<hbm>>) target(%arg21 : memref<128xi32, #tpu.memory_space<vmem>>) target_semaphore(%run_scoped3A : memref<!tpu.dma_semaphore, #tpu.memory_space<semaphore_mem>>)
        %dma_wait3A_166 = tpu.memref_slice %arg6[%add3A_163] : memref<323584xi32, #tpu.memory_space<hbm>> -> memref<128xi32, #tpu.memory_space<hbm>>
        %dma_wait3A_167 = tpu.memref_slice %arg6[%add3A_163] : memref<323584xi32, #tpu.memory_space<hbm>> -> memref<128xi32, #tpu.memory_space<hbm>>
        tpu.wait_dma2 semaphore(%run_scoped3A : memref<!tpu.dma_semaphore, #tpu.memory_space<semaphore_mem>>) src(%dma_wait3A_167 : memref<128xi32, #tpu.memory_space<hbm>>) dst(%arg21 : memref<128xi32, #tpu.memory_space<vmem>>)
        tpu.yield
      }) : () -> ()
      "tpu.region"() ({
        %run_scoped3A = tpu.sem_alloc : memref<!tpu.dma_semaphore, #tpu.memory_space<semaphore_mem>>
        %dma_start3A_164 = arith.constant 0 : i32
        %dma_start3A_165 = arith.constant 0 : i32
        %dma_start3A_166 = tpu.memref_slice %arg25[%dma_start3A_164, %dma_start3A_165] : memref<10112x128xf32, #tpu.memory_space<vmem_shared>> -> memref<10112x128xf32, #tpu.memory_space<vmem_shared>>
        tpu.enqueue_indirect_dma source(%arg23 : memref<128x128xf32, #tpu.memory_space<vmem>>) target(%dma_start3A_166 : memref<10112x128xf32, #tpu.memory_space<vmem_shared>>) offsets(%arg21 : memref<128xi32, #tpu.memory_space<vmem>>) semaphore(%run_scoped3A : memref<!tpu.dma_semaphore, #tpu.memory_space<semaphore_mem>>) {add = true}
        %dma_wait3A_167 = arith.constant 0 : i32
        %dma_wait3A_168 = arith.constant 0 : i32
        %dma_wait3A_169 = tpu.memref_slice %arg25[%dma_wait3A_167, %dma_wait3A_168] : memref<10112x128xf32, #tpu.memory_space<vmem_shared>> -> memref<10112x128xf32, #tpu.memory_space<vmem_shared>>
        tpu.wait_indirect_dma semaphore(%run_scoped3A : memref<!tpu.dma_semaphore, #tpu.memory_space<semaphore_mem>>) src(%arg23 : memref<128x128xf32, #tpu.memory_space<vmem>>) dst(%dma_wait3A_169 : memref<10112x128xf32, #tpu.memory_space<vmem_shared>>)
        tpu.yield
      }) : () -> ()
    }
    %scan3A_148 = arith.constant 79 : i32
    %barrier3A_149 = arith.constant 0 : index
    tpu.barrier barrier_id(%barrier3A_149)
    %eq3A_150 = arith.constant 0 : i32
    %eq3A_151 = arith.cmpi eq, %arg0, %eq3A_150 : i32
    %convert_element_type3A_152 = arith.extui %eq3A_151 : i1 to i32
    %cond3A_153 = arith.constant 0 : i32
    %cond3A_154 = arith.cmpi ne, %convert_element_type3A_152, %cond3A_153 : i32
    scf.if %cond3A_154 {
      "tpu.region"() ({
        %run_scoped3A = tpu.sem_alloc : memref<!tpu.dma_semaphore, #tpu.memory_space<semaphore_mem>>
        %dma_start3A_160 = arith.constant 0 : i32
        %dma_start3A_161 = tpu.memref_slice %arg14[%mul3A_4, %dma_start3A_160] : memref<10112x128xf32, #tpu.memory_space<hbm>> -> memref<632x128xf32, #tpu.memory_space<hbm>>
        %dma_start3A_162 = arith.constant 0 : i32
        %dma_start3A_163 = tpu.memref_slice %arg25[%mul3A_4, %dma_start3A_162] : memref<10112x128xf32, #tpu.memory_space<vmem_shared>> -> memref<632x128xf32, #tpu.memory_space<vmem_shared>>
        tpu.enqueue_dma source(%dma_start3A_163 : memref<632x128xf32, #tpu.memory_space<vmem_shared>>) target(%dma_start3A_161 : memref<632x128xf32, #tpu.memory_space<hbm>>) target_semaphore(%run_scoped3A : memref<!tpu.dma_semaphore, #tpu.memory_space<semaphore_mem>>)
        %dma_wait3A_164 = arith.constant 0 : i32
        %dma_wait3A_165 = tpu.memref_slice %arg14[%mul3A_4, %dma_wait3A_164] : memref<10112x128xf32, #tpu.memory_space<hbm>> -> memref<632x128xf32, #tpu.memory_space<hbm>>
        %dma_wait3A_166 = arith.constant 0 : i32
        %dma_wait3A_167 = tpu.memref_slice %arg25[%mul3A_4, %dma_wait3A_166] : memref<10112x128xf32, #tpu.memory_space<vmem_shared>> -> memref<632x128xf32, #tpu.memory_space<vmem_shared>>
        tpu.wait_dma2 semaphore(%run_scoped3A : memref<!tpu.dma_semaphore, #tpu.memory_space<semaphore_mem>>) src(%dma_wait3A_167 : memref<632x128xf32, #tpu.memory_space<vmem_shared>>) dst(%dma_wait3A_165 : memref<632x128xf32, #tpu.memory_space<hbm>>)
        tpu.yield
      }) : () -> ()
    } else {
    }
    %eq3A_155 = arith.constant 1 : i32
    %eq3A_156 = arith.cmpi eq, %arg0, %eq3A_155 : i32
    %convert_element_type3A_157 = arith.extui %eq3A_156 : i1 to i32
    %cond3A_158 = arith.constant 0 : i32
    %cond3A_159 = arith.cmpi ne, %convert_element_type3A_157, %cond3A_158 : i32
    scf.if %cond3A_159 {
      "tpu.region"() ({
        %run_scoped3A = tpu.sem_alloc : memref<!tpu.dma_semaphore, #tpu.memory_space<semaphore_mem>>
        %dma_start3A_160 = arith.constant 0 : i32
        %dma_start3A_161 = tpu.memref_slice %arg19[%mul3A_4, %dma_start3A_160] : memref<10112x128xf32, #tpu.memory_space<hbm>> -> memref<632x128xf32, #tpu.memory_space<hbm>>
        %dma_start3A_162 = arith.constant 0 : i32
        %dma_start3A_163 = tpu.memref_slice %arg25[%mul3A_4, %dma_start3A_162] : memref<10112x128xf32, #tpu.memory_space<vmem_shared>> -> memref<632x128xf32, #tpu.memory_space<vmem_shared>>
        tpu.enqueue_dma source(%dma_start3A_163 : memref<632x128xf32, #tpu.memory_space<vmem_shared>>) target(%dma_start3A_161 : memref<632x128xf32, #tpu.memory_space<hbm>>) target_semaphore(%run_scoped3A : memref<!tpu.dma_semaphore, #tpu.memory_space<semaphore_mem>>)
        %dma_wait3A_164 = arith.constant 0 : i32
        %dma_wait3A_165 = tpu.memref_slice %arg19[%mul3A_4, %dma_wait3A_164] : memref<10112x128xf32, #tpu.memory_space<hbm>> -> memref<632x128xf32, #tpu.memory_space<hbm>>
        %dma_wait3A_166 = arith.constant 0 : i32
        %dma_wait3A_167 = tpu.memref_slice %arg25[%mul3A_4, %dma_wait3A_166] : memref<10112x128xf32, #tpu.memory_space<vmem_shared>> -> memref<632x128xf32, #tpu.memory_space<vmem_shared>>
        tpu.wait_dma2 semaphore(%run_scoped3A : memref<!tpu.dma_semaphore, #tpu.memory_space<semaphore_mem>>) src(%dma_wait3A_167 : memref<632x128xf32, #tpu.memory_space<vmem_shared>>) dst(%dma_wait3A_165 : memref<632x128xf32, #tpu.memory_space<hbm>>)
        tpu.yield
      }) : () -> ()
    } else {
    }
    return
  }
}

module attributes {stable_mosaic.version = 14 : i64} {
  func.func @_emb_prob_body(%arg0: i32, %arg1: memref<1000x128xf32, #tpu.memory_space<vmem>>, %arg2: memref<512x128xf32, #tpu.memory_space<vmem>>, %arg3: memref<128x128xf32, #tpu.memory_space<vmem>>, %arg4: memref<1x128xf32, #tpu.memory_space<vmem>>, %arg5: memref<1xf32, #tpu.memory_space<smem>>, %arg6: memref<1000x128xf32, #tpu.memory_space<vmem>>, %arg7: memref<1000x128xf32, #tpu.memory_space<vmem>>, %arg8: memref<1000x128xf32, #tpu.memory_space<vmem>>, %arg9: memref<1000x128xf32, #tpu.memory_space<vmem>>, %arg10: memref<1000x128xf32, #tpu.memory_space<vmem>>, %arg11: memref<512x128xf32, #tpu.memory_space<vmem>>, %arg12: memref<1x512xf32, #tpu.memory_space<vmem>>) attributes {dimension_semantics = [#tpu.dimension_semantics<arbitrary>], iteration_bounds = array<i64: 10>, scalar_prefetch = 0 : i64, scratch_operands = 2 : i64, tpu.core_type = #tpu.core_type<tc>, window_params = [{transform_indices = @transform_0, window_bounds = array<i64: 1000, 128>}, {pipeline_mode = #tpu.pipeline_mode<synchronous>, transform_indices = @transform_1, window_bounds = array<i64: 512, 128>}, {pipeline_mode = #tpu.pipeline_mode<synchronous>, transform_indices = @transform_2, window_bounds = array<i64: 128, 128>}, {pipeline_mode = #tpu.pipeline_mode<synchronous>, transform_indices = @transform_3, window_bounds = array<i64: 1, 128>}, {transform_indices = @transform_4, window_bounds = array<i64: 1>}, {transform_indices = @transform_5, window_bounds = array<i64: 1000, 128>}, {transform_indices = @transform_6, window_bounds = array<i64: 1000, 128>}, {transform_indices = @transform_7, window_bounds = array<i64: 1000, 128>}, {transform_indices = @transform_8, window_bounds = array<i64: 1000, 128>}, {transform_indices = @transform_9, window_bounds = array<i64: 1000, 128>}]} {
    %get3A = arith.constant 0 : index
    %get3A_0 = arith.constant 0 : index
    %get3A_1 = vector.load %arg3[%get3A, %get3A_0] : memref<128x128xf32, #tpu.memory_space<vmem>>, vector<128x128xf32>
    %get3A_2 = arith.constant 0 : index
    %get3A_3 = arith.constant 0 : index
    %get3A_4 = vector.load %arg4[%get3A_2, %get3A_3] : memref<1x128xf32, #tpu.memory_space<vmem>>, vector<1x128xf32>
    %eq3A = arith.constant 0 : i32
    %eq3A_5 = arith.cmpi eq, %arg0, %eq3A : i32
    %convert_element_type3A = arith.extui %eq3A_5 : i1 to i32
    %cond3A = arith.constant 0 : i32
    %cond3A_6 = arith.cmpi ne, %convert_element_type3A, %cond3A : i32
    scf.if %cond3A_6 {
      %get3A_62 = arith.constant 0 : index
      %get3A_63 = arith.constant 0 : index
      %get3A_64 = vector.load %arg2[%get3A_62, %get3A_63] : memref<512x128xf32, #tpu.memory_space<vmem>>, vector<512x128xf32>
      %convert_element_type3A_65 = arith.truncf %get3A_64 : vector<512x128xf32> to vector<512x128xbf16>
      %convert_element_type3A_66 = arith.truncf %get3A_1 : vector<128x128xf32> to vector<128x128xbf16>
      %dot_general3A_67 = arith.constant dense<0.000000e+00> : vector<512x128xf32>
      %dot_general3A_68 = tpu.matmul %convert_element_type3A_65, %convert_element_type3A_66, %dot_general3A_67 {dimension_numbers = #tpu.dot_dimension_numbers<[1], [0], [0], [1], [0, 0, 1, 1], [], []>, transpose_lhs_hint = false} : vector<512x128xbf16>, vector<128x128xbf16>, vector<512x128xf32> -> vector<512x128xf32>
      %add3A_69 = vector.broadcast %get3A_4 : vector<1x128xf32> to vector<512x128xf32>
      %add3A_70 = arith.addf %dot_general3A_68, %add3A_69 : vector<512x128xf32>
      %swap3A_71 = arith.constant 0 : index
      %swap3A_72 = arith.constant 0 : index
      %swap3A_73 = vector.load %arg11[%swap3A_71, %swap3A_72] : memref<512x128xf32, #tpu.memory_space<vmem>>, vector<512x128xf32>
      tpu.vector_store %arg11[%swap3A_71, %swap3A_72], %add3A_70 {strides = array<i32>} : memref<512x128xf32, #tpu.memory_space<vmem>>, vector<512x128xf32>,
      %broadcast_in_dim3A_74 = arith.constant 1.000000e+00 : f32
      %broadcast_in_dim3A_75 = vector.broadcast %broadcast_in_dim3A_74 : f32 to vector<1x128xf32>
      %mul3A_76 = arith.mulf %add3A_70, %add3A_70 : vector<512x128xf32>
      %dot_general3A_77 = arith.constant dense<0.000000e+00> : vector<1x512xf32>
      %dot_general3A_78 = tpu.matmul %broadcast_in_dim3A_75, %mul3A_76, %dot_general3A_77 {dimension_numbers = #tpu.dot_dimension_numbers<[1], [1], [0], [0], [0, 0, 1, 0], [], []>, precision = #tpu.contract_precision<fp32>, transpose_lhs_hint = false} : vector<1x128xf32>, vector<512x128xf32>, vector<1x512xf32> -> vector<1x512xf32>
      %swap3A_79 = arith.constant 0 : index
      %swap3A_80 = arith.constant 0 : index
      %swap3A_81 = vector.load %arg12[%swap3A_79, %swap3A_80] : memref<1x512xf32, #tpu.memory_space<vmem>>, vector<1x512xf32>
      tpu.vector_store %arg12[%swap3A_79, %swap3A_80], %dot_general3A_78 {strides = array<i32>} : memref<1x512xf32, #tpu.memory_space<vmem>>, vector<1x512xf32>,
    } else {
    }
    %get3A_7 = arith.constant 0 : index
    %get3A_8 = arith.constant 0 : index
    %get3A_9 = vector.load %arg1[%get3A_7, %get3A_8] : memref<1000x128xf32, #tpu.memory_space<vmem>>, vector<1000x128xf32>
    %convert_element_type3A_10 = arith.truncf %get3A_9 : vector<1000x128xf32> to vector<1000x128xbf16>
    %convert_element_type3A_11 = arith.truncf %get3A_1 : vector<128x128xf32> to vector<128x128xbf16>
    %dot_general3A = arith.constant dense<0.000000e+00> : vector<1000x128xf32>
    %dot_general3A_12 = tpu.matmul %convert_element_type3A_10, %convert_element_type3A_11, %dot_general3A {dimension_numbers = #tpu.dot_dimension_numbers<[1], [0], [0], [1], [0, 0, 1, 1], [], []>, transpose_lhs_hint = false} : vector<1000x128xbf16>, vector<128x128xbf16>, vector<1000x128xf32> -> vector<1000x128xf32>
    %add3A = vector.broadcast %get3A_4 : vector<1x128xf32> to vector<1000x128xf32>
    %add3A_13 = arith.addf %dot_general3A_12, %add3A : vector<1000x128xf32>
    %swap3A = arith.constant 0 : index
    %swap3A_14 = arith.constant 0 : index
    %swap3A_15 = vector.load %arg6[%swap3A, %swap3A_14] : memref<1000x128xf32, #tpu.memory_space<vmem>>, vector<1000x128xf32>
    tpu.vector_store %arg6[%swap3A, %swap3A_14], %add3A_13 {strides = array<i32>} : memref<1000x128xf32, #tpu.memory_space<vmem>>, vector<1000x128xf32>,
    %mul3A = arith.mulf %add3A_13, %add3A_13 : vector<1000x128xf32>
    %reduce_sum3A = arith.constant dense<0.000000e+00> : vector<1000xf32>
    %reduce_sum3A_16 = vector.multi_reduction <add>, %mul3A, %reduce_sum3A [1] : vector<1000x128xf32> to vector<1000xf32>
    %broadcast_in_dim3A = vector.shape_cast %reduce_sum3A_16 : vector<1000xf32> to vector<1000x1xf32>
    %get3A_17 = arith.constant 0 : index
    %get3A_18 = arith.constant 0 : index
    %get3A_19 = vector.load %arg11[%get3A_17, %get3A_18] : memref<512x128xf32, #tpu.memory_space<vmem>>, vector<512x128xf32>
    %convert_element_type3A_20 = arith.truncf %add3A_13 : vector<1000x128xf32> to vector<1000x128xbf16>
    %convert_element_type3A_21 = arith.truncf %get3A_19 : vector<512x128xf32> to vector<512x128xbf16>
    %dot_general3A_22 = arith.constant dense<0.000000e+00> : vector<1000x512xf32>
    %dot_general3A_23 = tpu.matmul %convert_element_type3A_20, %convert_element_type3A_21, %dot_general3A_22 {dimension_numbers = #tpu.dot_dimension_numbers<[1], [1], [0], [0], [0, 0, 1, 0], [], []>, transpose_lhs_hint = false} : vector<1000x128xbf16>, vector<512x128xbf16>, vector<1000x512xf32> -> vector<1000x512xf32>
    %get3A_24 = arith.constant 0 : index
    %get3A_25 = arith.constant 0 : index
    %get3A_26 = vector.load %arg12[%get3A_24, %get3A_25] : memref<1x512xf32, #tpu.memory_space<vmem>>, vector<1x512xf32>
    %add3A_27 = vector.broadcast %broadcast_in_dim3A : vector<1000x1xf32> to vector<1000x512xf32>
    %add3A_28 = vector.broadcast %get3A_26 : vector<1x512xf32> to vector<1000x512xf32>
    %add3A_29 = arith.addf %add3A_27, %add3A_28 : vector<1000x512xf32>
    %mul3A_30 = arith.constant 2.000000e+00 : f32
    %mul3A_31 = vector.broadcast %mul3A_30 : f32 to vector<1000x512xf32>
    %mul3A_32 = arith.mulf %mul3A_31, %dot_general3A_23 : vector<1000x512xf32>
    %sub3A = arith.subf %add3A_29, %mul3A_32 : vector<1000x512xf32>
    %jit3A = arith.constant 0.000000e+00 : f32
    %max3A = vector.broadcast %jit3A : f32 to vector<1000x512xf32>
    %max3A_33 = arith.maximumf %max3A, %sub3A : vector<1000x512xf32>
    %add3A_34 = arith.constant 9.99999996E-13 : f32
    %add3A_35 = vector.broadcast %add3A_34 : f32 to vector<1000x512xf32>
    %add3A_36 = arith.addf %max3A_33, %add3A_35 : vector<1000x512xf32>
    %sqrt3A = math.sqrt %add3A_36 : vector<1000x512xf32>
    %get3A_37 = arith.constant 0 : index
    %get3A_38 = memref.load %arg5[%get3A_37] : memref<1xf32, #tpu.memory_space<smem>>
    %jit3A_39 = arith.constant -5.000000e+00 : f32
    %jit3A_40 = arith.constant 5.000000e+00 : f32
    %max3A_41 = arith.maximumf %jit3A_39, %get3A_38 : f32
    %min3A = arith.minimumf %jit3A_40, %max3A_41 : f32
    %exp3A = math.exp %min3A : f32
    %neg3A = arith.constant 0.000000e+00 : f32
    %neg3A_42 = vector.broadcast %neg3A : f32 to vector<1000x512xf32>
    %neg3A_43 = arith.subf %neg3A_42, %sqrt3A : vector<1000x512xf32>
    %mul3A_44 = vector.broadcast %exp3A : f32 to vector<1000x512xf32>
    %mul3A_45 = arith.mulf %neg3A_43, %mul3A_44 : vector<1000x512xf32>
    %exp3A_46 = math.exp %mul3A_45 : vector<1000x512xf32>
    %slice3A = vector.extract_strided_slice %exp3A_46 {offsets = [0, 0], sizes = [1000, 128], strides = [1, 1]} : vector<1000x512xf32> to vector<1000x128xf32>
    %swap3A_47 = arith.constant 0 : index
    %swap3A_48 = arith.constant 0 : index
    %swap3A_49 = vector.load %arg7[%swap3A_47, %swap3A_48] : memref<1000x128xf32, #tpu.memory_space<vmem>>, vector<1000x128xf32>
    tpu.vector_store %arg7[%swap3A_47, %swap3A_48], %slice3A {strides = array<i32>} : memref<1000x128xf32, #tpu.memory_space<vmem>>, vector<1000x128xf32>,
    %slice3A_50 = vector.extract_strided_slice %exp3A_46 {offsets = [0, 128], sizes = [1000, 128], strides = [1, 1]} : vector<1000x512xf32> to vector<1000x128xf32>
    %swap3A_51 = arith.constant 0 : index
    %swap3A_52 = arith.constant 0 : index
    %swap3A_53 = vector.load %arg8[%swap3A_51, %swap3A_52] : memref<1000x128xf32, #tpu.memory_space<vmem>>, vector<1000x128xf32>
    tpu.vector_store %arg8[%swap3A_51, %swap3A_52], %slice3A_50 {strides = array<i32>} : memref<1000x128xf32, #tpu.memory_space<vmem>>, vector<1000x128xf32>,
    %slice3A_54 = vector.extract_strided_slice %exp3A_46 {offsets = [0, 256], sizes = [1000, 128], strides = [1, 1]} : vector<1000x512xf32> to vector<1000x128xf32>
    %swap3A_55 = arith.constant 0 : index
    %swap3A_56 = arith.constant 0 : index
    %swap3A_57 = vector.load %arg9[%swap3A_55, %swap3A_56] : memref<1000x128xf32, #tpu.memory_space<vmem>>, vector<1000x128xf32>
    tpu.vector_store %arg9[%swap3A_55, %swap3A_56], %slice3A_54 {strides = array<i32>} : memref<1000x128xf32, #tpu.memory_space<vmem>>, vector<1000x128xf32>,
    %slice3A_58 = vector.extract_strided_slice %exp3A_46 {offsets = [0, 384], sizes = [1000, 128], strides = [1, 1]} : vector<1000x512xf32> to vector<1000x128xf32>
    %swap3A_59 = arith.constant 0 : index
    %swap3A_60 = arith.constant 0 : index
    %swap3A_61 = vector.load %arg10[%swap3A_59, %swap3A_60] : memref<1000x128xf32, #tpu.memory_space<vmem>>, vector<1000x128xf32>
    tpu.vector_store %arg10[%swap3A_59, %swap3A_60], %slice3A_58 {strides = array<i32>} : memref<1000x128xf32, #tpu.memory_space<vmem>>, vector<1000x128xf32>,
    return
  }
  func.func @transform_0(%arg0: i32) -> (i32, i32) {
    %c0_i32 = arith.constant 0 : i32
    %c0_i32_0 = arith.constant 0 : i32
    return %arg0, %c0_i32 : i32, i32
  }
  func.func @transform_1(%arg0: i32) -> (i32, i32) {
    %c0_i32 = arith.constant 0 : i32
    %c0_i32_0 = arith.constant 0 : i32
    %c0_i32_1 = arith.constant 0 : i32
    return %c0_i32, %c0_i32_0 : i32, i32
  }
  func.func @transform_2(%arg0: i32) -> (i32, i32) {
    %c0_i32 = arith.constant 0 : i32
    %c0_i32_0 = arith.constant 0 : i32
    %c0_i32_1 = arith.constant 0 : i32
    return %c0_i32, %c0_i32_0 : i32, i32
  }
  func.func @transform_3(%arg0: i32) -> (i32, i32) {
    %c0_i32 = arith.constant 0 : i32
    %c0_i32_0 = arith.constant 0 : i32
    %c0_i32_1 = arith.constant 0 : i32
    return %c0_i32, %c0_i32_0 : i32, i32
  }
  func.func @transform_4(%arg0: i32) -> i32 {
    %c0_i32 = arith.constant 0 : i32
    %c0_i32_0 = arith.constant 0 : i32
    return %c0_i32 : i32
  }
  func.func @transform_5(%arg0: i32) -> (i32, i32) {
    %c0_i32 = arith.constant 0 : i32
    %c0_i32_0 = arith.constant 0 : i32
    return %arg0, %c0_i32 : i32, i32
  }
  func.func @transform_6(%arg0: i32) -> (i32, i32) {
    %c0_i32 = arith.constant 0 : i32
    %c0_i32_0 = arith.constant 0 : i32
    return %arg0, %c0_i32 : i32, i32
  }
  func.func @transform_7(%arg0: i32) -> (i32, i32) {
    %c0_i32 = arith.constant 0 : i32
    %c0_i32_0 = arith.constant 0 : i32
    return %arg0, %c0_i32 : i32, i32
  }
  func.func @transform_8(%arg0: i32) -> (i32, i32) {
    %c0_i32 = arith.constant 0 : i32
    %c0_i32_0 = arith.constant 0 : i32
    return %arg0, %c0_i32 : i32, i32
  }
  func.func @transform_9(%arg0: i32) -> (i32, i32) {
    %c0_i32 = arith.constant 0 : i32
    %c0_i32_0 = arith.constant 0 : i32
    return %arg0, %c0_i32 : i32, i32
  }
}

module attributes {stable_mosaic.version = 14 : i64} {
  func.func @_topk_body(%arg0: i32, %arg1: memref<1000x128xf32, #tpu.memory_space<vmem>>, %arg2: memref<1000x128xf32, #tpu.memory_space<vmem>>, %arg3: memref<1000x128xf32, #tpu.memory_space<vmem>>, %arg4: memref<1000x128xf32, #tpu.memory_space<vmem>>, %arg5: memref<1000x128xf32, #tpu.memory_space<vmem>>, %arg6: memref<1000x128xf32, #tpu.memory_space<vmem>>, %arg7: memref<1000x128xf32, #tpu.memory_space<vmem>>, %arg8: memref<1000x128xf32, #tpu.memory_space<vmem>>, %arg9: memref<1000x128xf32, #tpu.memory_space<vmem>>, %arg10: memref<1000x128xf32, #tpu.memory_space<vmem>>, %arg11: memref<1000x128xf32, #tpu.memory_space<vmem>>, %arg12: memref<1000x128xf32, #tpu.memory_space<vmem>>, %arg13: memref<1000x128xf32, #tpu.memory_space<vmem>>, %arg14: memref<1000x128xf32, #tpu.memory_space<vmem>>, %arg15: memref<1000x512xf32, #tpu.memory_space<vmem>>, %arg16: memref<1000x500xf32, #tpu.memory_space<vmem>>, %arg17: memref<1000x16xf32, #tpu.memory_space<vmem>>) attributes {dimension_semantics = [#tpu.dimension_semantics<arbitrary>], iteration_bounds = array<i64: 10>, scalar_prefetch = 0 : i64, scratch_operands = 0 : i64, tpu.core_type = #tpu.core_type<tc>, window_params = [{transform_indices = @transform_0, window_bounds = array<i64: 1000, 128>}, {transform_indices = @transform_1, window_bounds = array<i64: 1000, 128>}, {transform_indices = @transform_2, window_bounds = array<i64: 1000, 128>}, {transform_indices = @transform_3, window_bounds = array<i64: 1000, 128>}, {transform_indices = @transform_4, window_bounds = array<i64: 1000, 128>}, {transform_indices = @transform_5, window_bounds = array<i64: 1000, 128>}, {transform_indices = @transform_6, window_bounds = array<i64: 1000, 128>}, {transform_indices = @transform_7, window_bounds = array<i64: 1000, 128>}, {transform_indices = @transform_8, window_bounds = array<i64: 1000, 128>}, {transform_indices = @transform_9, window_bounds = array<i64: 1000, 128>}, {transform_indices = @transform_10, window_bounds = array<i64: 1000, 128>}, {transform_indices = @transform_11, window_bounds = array<i64: 1000, 128>}, {transform_indices = @transform_12, window_bounds = array<i64: 1000, 128>}, {transform_indices = @transform_13, window_bounds = array<i64: 1000, 128>}, {transform_indices = @transform_14, window_bounds = array<i64: 1000, 512>}, {transform_indices = @transform_15, window_bounds = array<i64: 1000, 500>}, {transform_indices = @transform_16, window_bounds = array<i64: 1000, 16>}]} {
    %get3A = arith.constant 0 : index
    %get3A_0 = arith.constant 0 : index
    %get3A_1 = vector.load %arg9[%get3A, %get3A_0] : memref<1000x128xf32, #tpu.memory_space<vmem>>, vector<1000x1xf32>
    %add3A = arith.constant 1.000000e+00 : f32
    %add3A_2 = vector.broadcast %add3A : f32 to vector<1000x1xf32>
    %add3A_3 = arith.addf %add3A_2, %get3A_1 : vector<1000x1xf32>
    %get3A_4 = arith.constant 0 : index
    %get3A_5 = arith.constant 0 : index
    %get3A_6 = vector.load %arg14[%get3A_4, %get3A_5] : memref<1000x128xf32, #tpu.memory_space<vmem>>, vector<1000x1xf32>
    %add3A_7 = arith.addf %add3A_3, %get3A_6 : vector<1000x1xf32>
    %get3A_8 = arith.constant 0 : index
    %get3A_9 = arith.constant 0 : index
    %get3A_10 = vector.load %arg1[%get3A_8, %get3A_9] : memref<1000x128xf32, #tpu.memory_space<vmem>>, vector<1000x128xf32>
    %get3A_11 = arith.constant 0 : index
    %get3A_12 = arith.constant 0 : index
    %get3A_13 = vector.load %arg5[%get3A_11, %get3A_12] : memref<1000x128xf32, #tpu.memory_space<vmem>>, vector<1000x128xf32>
    %add3A_14 = arith.addf %get3A_10, %get3A_13 : vector<1000x128xf32>
    %get3A_15 = arith.constant 0 : index
    %get3A_16 = arith.constant 0 : index
    %get3A_17 = vector.load %arg10[%get3A_15, %get3A_16] : memref<1000x128xf32, #tpu.memory_space<vmem>>, vector<1000x128xf32>
    %add3A_18 = arith.addf %add3A_14, %get3A_17 : vector<1000x128xf32>
    %get3A_19 = arith.constant 0 : index
    %get3A_20 = arith.constant 0 : index
    %get3A_21 = vector.load %arg2[%get3A_19, %get3A_20] : memref<1000x128xf32, #tpu.memory_space<vmem>>, vector<1000x128xf32>
    %get3A_22 = arith.constant 0 : index
    %get3A_23 = arith.constant 0 : index
    %get3A_24 = vector.load %arg6[%get3A_22, %get3A_23] : memref<1000x128xf32, #tpu.memory_space<vmem>>, vector<1000x128xf32>
    %add3A_25 = arith.addf %get3A_21, %get3A_24 : vector<1000x128xf32>
    %get3A_26 = arith.constant 0 : index
    %get3A_27 = arith.constant 0 : index
    %get3A_28 = vector.load %arg11[%get3A_26, %get3A_27] : memref<1000x128xf32, #tpu.memory_space<vmem>>, vector<1000x128xf32>
    %add3A_29 = arith.addf %add3A_25, %get3A_28 : vector<1000x128xf32>
    %get3A_30 = arith.constant 0 : index
    %get3A_31 = arith.constant 0 : index
    %get3A_32 = vector.load %arg3[%get3A_30, %get3A_31] : memref<1000x128xf32, #tpu.memory_space<vmem>>, vector<1000x128xf32>
    %get3A_33 = arith.constant 0 : index
    %get3A_34 = arith.constant 0 : index
    %get3A_35 = vector.load %arg7[%get3A_33, %get3A_34] : memref<1000x128xf32, #tpu.memory_space<vmem>>, vector<1000x128xf32>
    %add3A_36 = arith.addf %get3A_32, %get3A_35 : vector<1000x128xf32>
    %get3A_37 = arith.constant 0 : index
    %get3A_38 = arith.constant 0 : index
    %get3A_39 = vector.load %arg12[%get3A_37, %get3A_38] : memref<1000x128xf32, #tpu.memory_space<vmem>>, vector<1000x128xf32>
    %add3A_40 = arith.addf %add3A_36, %get3A_39 : vector<1000x128xf32>
    %get3A_41 = arith.constant 0 : index
    %get3A_42 = arith.constant 0 : index
    %get3A_43 = vector.load %arg4[%get3A_41, %get3A_42] : memref<1000x128xf32, #tpu.memory_space<vmem>>, vector<1000x128xf32>
    %get3A_44 = arith.constant 0 : index
    %get3A_45 = arith.constant 0 : index
    %get3A_46 = vector.load %arg8[%get3A_44, %get3A_45] : memref<1000x128xf32, #tpu.memory_space<vmem>>, vector<1000x128xf32>
    %add3A_47 = arith.addf %get3A_43, %get3A_46 : vector<1000x128xf32>
    %get3A_48 = arith.constant 0 : index
    %get3A_49 = arith.constant 0 : index
    %get3A_50 = vector.load %arg13[%get3A_48, %get3A_49] : memref<1000x128xf32, #tpu.memory_space<vmem>>, vector<1000x128xf32>
    %add3A_51 = arith.addf %add3A_47, %get3A_50 : vector<1000x128xf32>
    %concatenate3A = tpu.concatenate %add3A_18, %add3A_29, %add3A_40, %add3A_51 in 1 : vector<1000x128xf32>, vector<1000x128xf32>, vector<1000x128xf32>, vector<1000x128xf32> -> vector<1000x512xf32>
    %div3A = vector.broadcast %add3A_7 : vector<1000x1xf32> to vector<1000x512xf32>
    %div3A_52 = arith.divf %concatenate3A, %div3A : vector<1000x512xf32>
    %jit3A = arith.constant 9.99999996E-13 : f32
    %max3A = vector.broadcast %jit3A : f32 to vector<1000x512xf32>
    %max3A_53 = arith.maximumf %max3A, %div3A_52 : vector<1000x512xf32>
    %log3A = math.log %max3A_53 : vector<1000x512xf32>
    %neg3A = arith.constant 0.000000e+00 : f32
    %neg3A_54 = vector.broadcast %neg3A : f32 to vector<1000x512xf32>
    %neg3A_55 = arith.subf %neg3A_54, %log3A : vector<1000x512xf32>
    %get3A_56 = arith.constant 0 : index
    %get3A_57 = arith.constant 0 : index
    %get3A_58 = vector.load %arg15[%get3A_56, %get3A_57] : memref<1000x512xf32, #tpu.memory_space<vmem>>, vector<1000x512xf32>
    %log3A_59 = math.log %get3A_58 : vector<1000x512xf32>
    %neg3A_60 = arith.constant 0.000000e+00 : f32
    %neg3A_61 = vector.broadcast %neg3A_60 : f32 to vector<1000x512xf32>
    %neg3A_62 = arith.subf %neg3A_61, %log3A_59 : vector<1000x512xf32>
    %log3A_63 = math.log %neg3A_62 : vector<1000x512xf32>
    %iota3A = tpu.iota {dimensions = array<i32: 1>} : vector<1000x512xi32>
    %lt3A = arith.constant 500 : i32
    %lt3A_64 = vector.broadcast %lt3A : i32 to vector<1000x512xi32>
    %lt3A_65 = arith.cmpi slt, %iota3A, %lt3A_64 : vector<1000x512xi32>
    %sub3A = arith.subf %log3A_63, %neg3A_55 : vector<1000x512xf32>
    %jit3A_66 = arith.constant -3.000000e+38 : f32
    %broadcast_in_dim3A = vector.broadcast %jit3A_66 : f32 to vector<1000x512xf32>
    %select_n3A = arith.select %lt3A_65, %sub3A, %broadcast_in_dim3A : vector<1000x512xi1>, vector<1000x512xf32>
    %broadcast_in_dim3A_67 = arith.constant 0.000000e+00 : f32
    %broadcast_in_dim3A_68 = vector.broadcast %broadcast_in_dim3A_67 : f32 to vector<1000x512xf32>
    %reduce_max3A = arith.constant dense<0xFF800000> : vector<1000xf32>
    %reduce_max3A_69 = vector.multi_reduction <maximumf>, %select_n3A, %reduce_max3A [1] : vector<1000x512xf32> to vector<1000xf32>
    %broadcast_in_dim3A_70 = vector.shape_cast %reduce_max3A_69 : vector<1000xf32> to vector<1000x1xf32>
    %ge3A = vector.broadcast %broadcast_in_dim3A_70 : vector<1000x1xf32> to vector<1000x512xf32>
    %ge3A_71 = arith.cmpf oge, %select_n3A, %ge3A : vector<1000x512xf32>
    %jit3A_72 = arith.constant 512 : i32
    %broadcast_in_dim3A_73 = vector.broadcast %jit3A_72 : i32 to vector<1000x512xi32>
    %select_n3A_74 = arith.select %ge3A_71, %iota3A, %broadcast_in_dim3A_73 : vector<1000x512xi1>, vector<1000x512xi32>
    %reduce_min3A = arith.constant dense<2147483647> : vector<1000xi32>
    %reduce_min3A_75 = vector.multi_reduction <minsi>, %select_n3A_74, %reduce_min3A [1] : vector<1000x512xi32> to vector<1000xi32>
    %broadcast_in_dim3A_76 = vector.shape_cast %reduce_min3A_75 : vector<1000xi32> to vector<1000x1xi32>
    %eq3A = vector.broadcast %broadcast_in_dim3A_76 : vector<1000x1xi32> to vector<1000x512xi32>
    %eq3A_77 = arith.cmpi eq, %iota3A, %eq3A : vector<1000x512xi32>
    %jit3A_78 = arith.constant 1.000000e+00 : f32
    %broadcast_in_dim3A_79 = vector.broadcast %jit3A_78 : f32 to vector<1000x512xf32>
    %select_n3A_80 = arith.select %eq3A_77, %broadcast_in_dim3A_79, %broadcast_in_dim3A_68 : vector<1000x512xi1>, vector<1000x512xf32>
    %jit3A_81 = arith.constant -3.000000e+38 : f32
    %broadcast_in_dim3A_82 = vector.broadcast %jit3A_81 : f32 to vector<1000x512xf32>
    %select_n3A_83 = arith.select %eq3A_77, %broadcast_in_dim3A_82, %select_n3A : vector<1000x512xi1>, vector<1000x512xf32>
    %reduce_max3A_84 = arith.constant dense<0xFF800000> : vector<1000xf32>
    %reduce_max3A_85 = vector.multi_reduction <maximumf>, %select_n3A_83, %reduce_max3A_84 [1] : vector<1000x512xf32> to vector<1000xf32>
    %broadcast_in_dim3A_86 = vector.shape_cast %reduce_max3A_85 : vector<1000xf32> to vector<1000x1xf32>
    %ge3A_87 = vector.broadcast %broadcast_in_dim3A_86 : vector<1000x1xf32> to vector<1000x512xf32>
    %ge3A_88 = arith.cmpf oge, %select_n3A_83, %ge3A_87 : vector<1000x512xf32>
    %jit3A_89 = arith.constant 512 : i32
    %broadcast_in_dim3A_90 = vector.broadcast %jit3A_89 : i32 to vector<1000x512xi32>
    %select_n3A_91 = arith.select %ge3A_88, %iota3A, %broadcast_in_dim3A_90 : vector<1000x512xi1>, vector<1000x512xi32>
    %reduce_min3A_92 = arith.constant dense<2147483647> : vector<1000xi32>
    %reduce_min3A_93 = vector.multi_reduction <minsi>, %select_n3A_91, %reduce_min3A_92 [1] : vector<1000x512xi32> to vector<1000xi32>
    %broadcast_in_dim3A_94 = vector.shape_cast %reduce_min3A_93 : vector<1000xi32> to vector<1000x1xi32>
    %eq3A_95 = vector.broadcast %broadcast_in_dim3A_94 : vector<1000x1xi32> to vector<1000x512xi32>
    %eq3A_96 = arith.cmpi eq, %iota3A, %eq3A_95 : vector<1000x512xi32>
    %jit3A_97 = arith.constant 1.000000e+00 : f32
    %broadcast_in_dim3A_98 = vector.broadcast %jit3A_97 : f32 to vector<1000x512xf32>
    %select_n3A_99 = arith.select %eq3A_96, %broadcast_in_dim3A_98, %select_n3A_80 : vector<1000x512xi1>, vector<1000x512xf32>
    %jit3A_100 = arith.constant -3.000000e+38 : f32
    %broadcast_in_dim3A_101 = vector.broadcast %jit3A_100 : f32 to vector<1000x512xf32>
    %select_n3A_102 = arith.select %eq3A_96, %broadcast_in_dim3A_101, %select_n3A_83 : vector<1000x512xi1>, vector<1000x512xf32>
    %reduce_max3A_103 = arith.constant dense<0xFF800000> : vector<1000xf32>
    %reduce_max3A_104 = vector.multi_reduction <maximumf>, %select_n3A_102, %reduce_max3A_103 [1] : vector<1000x512xf32> to vector<1000xf32>
    %broadcast_in_dim3A_105 = vector.shape_cast %reduce_max3A_104 : vector<1000xf32> to vector<1000x1xf32>
    %ge3A_106 = vector.broadcast %broadcast_in_dim3A_105 : vector<1000x1xf32> to vector<1000x512xf32>
    %ge3A_107 = arith.cmpf oge, %select_n3A_102, %ge3A_106 : vector<1000x512xf32>
    %jit3A_108 = arith.constant 512 : i32
    %broadcast_in_dim3A_109 = vector.broadcast %jit3A_108 : i32 to vector<1000x512xi32>
    %select_n3A_110 = arith.select %ge3A_107, %iota3A, %broadcast_in_dim3A_109 : vector<1000x512xi1>, vector<1000x512xi32>
    %reduce_min3A_111 = arith.constant dense<2147483647> : vector<1000xi32>
    %reduce_min3A_112 = vector.multi_reduction <minsi>, %select_n3A_110, %reduce_min3A_111 [1] : vector<1000x512xi32> to vector<1000xi32>
    %broadcast_in_dim3A_113 = vector.shape_cast %reduce_min3A_112 : vector<1000xi32> to vector<1000x1xi32>
    %eq3A_114 = vector.broadcast %broadcast_in_dim3A_113 : vector<1000x1xi32> to vector<1000x512xi32>
    %eq3A_115 = arith.cmpi eq, %iota3A, %eq3A_114 : vector<1000x512xi32>
    %jit3A_116 = arith.constant 1.000000e+00 : f32
    %broadcast_in_dim3A_117 = vector.broadcast %jit3A_116 : f32 to vector<1000x512xf32>
    %select_n3A_118 = arith.select %eq3A_115, %broadcast_in_dim3A_117, %select_n3A_99 : vector<1000x512xi1>, vector<1000x512xf32>
    %jit3A_119 = arith.constant -3.000000e+38 : f32
    %broadcast_in_dim3A_120 = vector.broadcast %jit3A_119 : f32 to vector<1000x512xf32>
    %select_n3A_121 = arith.select %eq3A_115, %broadcast_in_dim3A_120, %select_n3A_102 : vector<1000x512xi1>, vector<1000x512xf32>
    %reduce_max3A_122 = arith.constant dense<0xFF800000> : vector<1000xf32>
    %reduce_max3A_123 = vector.multi_reduction <maximumf>, %select_n3A_121, %reduce_max3A_122 [1] : vector<1000x512xf32> to vector<1000xf32>
    %broadcast_in_dim3A_124 = vector.shape_cast %reduce_max3A_123 : vector<1000xf32> to vector<1000x1xf32>
    %ge3A_125 = vector.broadcast %broadcast_in_dim3A_124 : vector<1000x1xf32> to vector<1000x512xf32>
    %ge3A_126 = arith.cmpf oge, %select_n3A_121, %ge3A_125 : vector<1000x512xf32>
    %jit3A_127 = arith.constant 512 : i32
    %broadcast_in_dim3A_128 = vector.broadcast %jit3A_127 : i32 to vector<1000x512xi32>
    %select_n3A_129 = arith.select %ge3A_126, %iota3A, %broadcast_in_dim3A_128 : vector<1000x512xi1>, vector<1000x512xi32>
    %reduce_min3A_130 = arith.constant dense<2147483647> : vector<1000xi32>
    %reduce_min3A_131 = vector.multi_reduction <minsi>, %select_n3A_129, %reduce_min3A_130 [1] : vector<1000x512xi32> to vector<1000xi32>
    %broadcast_in_dim3A_132 = vector.shape_cast %reduce_min3A_131 : vector<1000xi32> to vector<1000x1xi32>
    %eq3A_133 = vector.broadcast %broadcast_in_dim3A_132 : vector<1000x1xi32> to vector<1000x512xi32>
    %eq3A_134 = arith.cmpi eq, %iota3A, %eq3A_133 : vector<1000x512xi32>
    %jit3A_135 = arith.constant 1.000000e+00 : f32
    %broadcast_in_dim3A_136 = vector.broadcast %jit3A_135 : f32 to vector<1000x512xf32>
    %select_n3A_137 = arith.select %eq3A_134, %broadcast_in_dim3A_136, %select_n3A_118 : vector<1000x512xi1>, vector<1000x512xf32>
    %jit3A_138 = arith.constant -3.000000e+38 : f32
    %broadcast_in_dim3A_139 = vector.broadcast %jit3A_138 : f32 to vector<1000x512xf32>
    %select_n3A_140 = arith.select %eq3A_134, %broadcast_in_dim3A_139, %select_n3A_121 : vector<1000x512xi1>, vector<1000x512xf32>
    %reduce_max3A_141 = arith.constant dense<0xFF800000> : vector<1000xf32>
    %reduce_max3A_142 = vector.multi_reduction <maximumf>, %select_n3A_140, %reduce_max3A_141 [1] : vector<1000x512xf32> to vector<1000xf32>
    %broadcast_in_dim3A_143 = vector.shape_cast %reduce_max3A_142 : vector<1000xf32> to vector<1000x1xf32>
    %ge3A_144 = vector.broadcast %broadcast_in_dim3A_143 : vector<1000x1xf32> to vector<1000x512xf32>
    %ge3A_145 = arith.cmpf oge, %select_n3A_140, %ge3A_144 : vector<1000x512xf32>
    %jit3A_146 = arith.constant 512 : i32
    %broadcast_in_dim3A_147 = vector.broadcast %jit3A_146 : i32 to vector<1000x512xi32>
    %select_n3A_148 = arith.select %ge3A_145, %iota3A, %broadcast_in_dim3A_147 : vector<1000x512xi1>, vector<1000x512xi32>
    %reduce_min3A_149 = arith.constant dense<2147483647> : vector<1000xi32>
    %reduce_min3A_150 = vector.multi_reduction <minsi>, %select_n3A_148, %reduce_min3A_149 [1] : vector<1000x512xi32> to vector<1000xi32>
    %broadcast_in_dim3A_151 = vector.shape_cast %reduce_min3A_150 : vector<1000xi32> to vector<1000x1xi32>
    %eq3A_152 = vector.broadcast %broadcast_in_dim3A_151 : vector<1000x1xi32> to vector<1000x512xi32>
    %eq3A_153 = arith.cmpi eq, %iota3A, %eq3A_152 : vector<1000x512xi32>
    %jit3A_154 = arith.constant 1.000000e+00 : f32
    %broadcast_in_dim3A_155 = vector.broadcast %jit3A_154 : f32 to vector<1000x512xf32>
    %select_n3A_156 = arith.select %eq3A_153, %broadcast_in_dim3A_155, %select_n3A_137 : vector<1000x512xi1>, vector<1000x512xf32>
    %jit3A_157 = arith.constant -3.000000e+38 : f32
    %broadcast_in_dim3A_158 = vector.broadcast %jit3A_157 : f32 to vector<1000x512xf32>
    %select_n3A_159 = arith.select %eq3A_153, %broadcast_in_dim3A_158, %select_n3A_140 : vector<1000x512xi1>, vector<1000x512xf32>
    %reduce_max3A_160 = arith.constant dense<0xFF800000> : vector<1000xf32>
    %reduce_max3A_161 = vector.multi_reduction <maximumf>, %select_n3A_159, %reduce_max3A_160 [1] : vector<1000x512xf32> to vector<1000xf32>
    %broadcast_in_dim3A_162 = vector.shape_cast %reduce_max3A_161 : vector<1000xf32> to vector<1000x1xf32>
    %ge3A_163 = vector.broadcast %broadcast_in_dim3A_162 : vector<1000x1xf32> to vector<1000x512xf32>
    %ge3A_164 = arith.cmpf oge, %select_n3A_159, %ge3A_163 : vector<1000x512xf32>
    %jit3A_165 = arith.constant 512 : i32
    %broadcast_in_dim3A_166 = vector.broadcast %jit3A_165 : i32 to vector<1000x512xi32>
    %select_n3A_167 = arith.select %ge3A_164, %iota3A, %broadcast_in_dim3A_166 : vector<1000x512xi1>, vector<1000x512xi32>
    %reduce_min3A_168 = arith.constant dense<2147483647> : vector<1000xi32>
    %reduce_min3A_169 = vector.multi_reduction <minsi>, %select_n3A_167, %reduce_min3A_168 [1] : vector<1000x512xi32> to vector<1000xi32>
    %broadcast_in_dim3A_170 = vector.shape_cast %reduce_min3A_169 : vector<1000xi32> to vector<1000x1xi32>
    %eq3A_171 = vector.broadcast %broadcast_in_dim3A_170 : vector<1000x1xi32> to vector<1000x512xi32>
    %eq3A_172 = arith.cmpi eq, %iota3A, %eq3A_171 : vector<1000x512xi32>
    %jit3A_173 = arith.constant 1.000000e+00 : f32
    %broadcast_in_dim3A_174 = vector.broadcast %jit3A_173 : f32 to vector<1000x512xf32>
    %select_n3A_175 = arith.select %eq3A_172, %broadcast_in_dim3A_174, %select_n3A_156 : vector<1000x512xi1>, vector<1000x512xf32>
    %jit3A_176 = arith.constant -3.000000e+38 : f32
    %broadcast_in_dim3A_177 = vector.broadcast %jit3A_176 : f32 to vector<1000x512xf32>
    %select_n3A_178 = arith.select %eq3A_172, %broadcast_in_dim3A_177, %select_n3A_159 : vector<1000x512xi1>, vector<1000x512xf32>
    %reduce_max3A_179 = arith.constant dense<0xFF800000> : vector<1000xf32>
    %reduce_max3A_180 = vector.multi_reduction <maximumf>, %select_n3A_178, %reduce_max3A_179 [1] : vector<1000x512xf32> to vector<1000xf32>
    %broadcast_in_dim3A_181 = vector.shape_cast %reduce_max3A_180 : vector<1000xf32> to vector<1000x1xf32>
    %ge3A_182 = vector.broadcast %broadcast_in_dim3A_181 : vector<1000x1xf32> to vector<1000x512xf32>
    %ge3A_183 = arith.cmpf oge, %select_n3A_178, %ge3A_182 : vector<1000x512xf32>
    %jit3A_184 = arith.constant 512 : i32
    %broadcast_in_dim3A_185 = vector.broadcast %jit3A_184 : i32 to vector<1000x512xi32>
    %select_n3A_186 = arith.select %ge3A_183, %iota3A, %broadcast_in_dim3A_185 : vector<1000x512xi1>, vector<1000x512xi32>
    %reduce_min3A_187 = arith.constant dense<2147483647> : vector<1000xi32>
    %reduce_min3A_188 = vector.multi_reduction <minsi>, %select_n3A_186, %reduce_min3A_187 [1] : vector<1000x512xi32> to vector<1000xi32>
    %broadcast_in_dim3A_189 = vector.shape_cast %reduce_min3A_188 : vector<1000xi32> to vector<1000x1xi32>
    %eq3A_190 = vector.broadcast %broadcast_in_dim3A_189 : vector<1000x1xi32> to vector<1000x512xi32>
    %eq3A_191 = arith.cmpi eq, %iota3A, %eq3A_190 : vector<1000x512xi32>
    %jit3A_192 = arith.constant 1.000000e+00 : f32
    %broadcast_in_dim3A_193 = vector.broadcast %jit3A_192 : f32 to vector<1000x512xf32>
    %select_n3A_194 = arith.select %eq3A_191, %broadcast_in_dim3A_193, %select_n3A_175 : vector<1000x512xi1>, vector<1000x512xf32>
    %jit3A_195 = arith.constant -3.000000e+38 : f32
    %broadcast_in_dim3A_196 = vector.broadcast %jit3A_195 : f32 to vector<1000x512xf32>
    %select_n3A_197 = arith.select %eq3A_191, %broadcast_in_dim3A_196, %select_n3A_178 : vector<1000x512xi1>, vector<1000x512xf32>
    %reduce_max3A_198 = arith.constant dense<0xFF800000> : vector<1000xf32>
    %reduce_max3A_199 = vector.multi_reduction <maximumf>, %select_n3A_197, %reduce_max3A_198 [1] : vector<1000x512xf32> to vector<1000xf32>
    %broadcast_in_dim3A_200 = vector.shape_cast %reduce_max3A_199 : vector<1000xf32> to vector<1000x1xf32>
    %ge3A_201 = vector.broadcast %broadcast_in_dim3A_200 : vector<1000x1xf32> to vector<1000x512xf32>
    %ge3A_202 = arith.cmpf oge, %select_n3A_197, %ge3A_201 : vector<1000x512xf32>
    %jit3A_203 = arith.constant 512 : i32
    %broadcast_in_dim3A_204 = vector.broadcast %jit3A_203 : i32 to vector<1000x512xi32>
    %select_n3A_205 = arith.select %ge3A_202, %iota3A, %broadcast_in_dim3A_204 : vector<1000x512xi1>, vector<1000x512xi32>
    %reduce_min3A_206 = arith.constant dense<2147483647> : vector<1000xi32>
    %reduce_min3A_207 = vector.multi_reduction <minsi>, %select_n3A_205, %reduce_min3A_206 [1] : vector<1000x512xi32> to vector<1000xi32>
    %broadcast_in_dim3A_208 = vector.shape_cast %reduce_min3A_207 : vector<1000xi32> to vector<1000x1xi32>
    %eq3A_209 = vector.broadcast %broadcast_in_dim3A_208 : vector<1000x1xi32> to vector<1000x512xi32>
    %eq3A_210 = arith.cmpi eq, %iota3A, %eq3A_209 : vector<1000x512xi32>
    %jit3A_211 = arith.constant 1.000000e+00 : f32
    %broadcast_in_dim3A_212 = vector.broadcast %jit3A_211 : f32 to vector<1000x512xf32>
    %select_n3A_213 = arith.select %eq3A_210, %broadcast_in_dim3A_212, %select_n3A_194 : vector<1000x512xi1>, vector<1000x512xf32>
    %jit3A_214 = arith.constant -3.000000e+38 : f32
    %broadcast_in_dim3A_215 = vector.broadcast %jit3A_214 : f32 to vector<1000x512xf32>
    %select_n3A_216 = arith.select %eq3A_210, %broadcast_in_dim3A_215, %select_n3A_197 : vector<1000x512xi1>, vector<1000x512xf32>
    %reduce_max3A_217 = arith.constant dense<0xFF800000> : vector<1000xf32>
    %reduce_max3A_218 = vector.multi_reduction <maximumf>, %select_n3A_216, %reduce_max3A_217 [1] : vector<1000x512xf32> to vector<1000xf32>
    %broadcast_in_dim3A_219 = vector.shape_cast %reduce_max3A_218 : vector<1000xf32> to vector<1000x1xf32>
    %ge3A_220 = vector.broadcast %broadcast_in_dim3A_219 : vector<1000x1xf32> to vector<1000x512xf32>
    %ge3A_221 = arith.cmpf oge, %select_n3A_216, %ge3A_220 : vector<1000x512xf32>
    %jit3A_222 = arith.constant 512 : i32
    %broadcast_in_dim3A_223 = vector.broadcast %jit3A_222 : i32 to vector<1000x512xi32>
    %select_n3A_224 = arith.select %ge3A_221, %iota3A, %broadcast_in_dim3A_223 : vector<1000x512xi1>, vector<1000x512xi32>
    %reduce_min3A_225 = arith.constant dense<2147483647> : vector<1000xi32>
    %reduce_min3A_226 = vector.multi_reduction <minsi>, %select_n3A_224, %reduce_min3A_225 [1] : vector<1000x512xi32> to vector<1000xi32>
    %broadcast_in_dim3A_227 = vector.shape_cast %reduce_min3A_226 : vector<1000xi32> to vector<1000x1xi32>
    %eq3A_228 = vector.broadcast %broadcast_in_dim3A_227 : vector<1000x1xi32> to vector<1000x512xi32>
    %eq3A_229 = arith.cmpi eq, %iota3A, %eq3A_228 : vector<1000x512xi32>
    %jit3A_230 = arith.constant 1.000000e+00 : f32
    %broadcast_in_dim3A_231 = vector.broadcast %jit3A_230 : f32 to vector<1000x512xf32>
    %select_n3A_232 = arith.select %eq3A_229, %broadcast_in_dim3A_231, %select_n3A_213 : vector<1000x512xi1>, vector<1000x512xf32>
    %jit3A_233 = arith.constant -3.000000e+38 : f32
    %broadcast_in_dim3A_234 = vector.broadcast %jit3A_233 : f32 to vector<1000x512xf32>
    %select_n3A_235 = arith.select %eq3A_229, %broadcast_in_dim3A_234, %select_n3A_216 : vector<1000x512xi1>, vector<1000x512xf32>
    %reduce_max3A_236 = arith.constant dense<0xFF800000> : vector<1000xf32>
    %reduce_max3A_237 = vector.multi_reduction <maximumf>, %select_n3A_235, %reduce_max3A_236 [1] : vector<1000x512xf32> to vector<1000xf32>
    %broadcast_in_dim3A_238 = vector.shape_cast %reduce_max3A_237 : vector<1000xf32> to vector<1000x1xf32>
    %ge3A_239 = vector.broadcast %broadcast_in_dim3A_238 : vector<1000x1xf32> to vector<1000x512xf32>
    %ge3A_240 = arith.cmpf oge, %select_n3A_235, %ge3A_239 : vector<1000x512xf32>
    %jit3A_241 = arith.constant 512 : i32
    %broadcast_in_dim3A_242 = vector.broadcast %jit3A_241 : i32 to vector<1000x512xi32>
    %select_n3A_243 = arith.select %ge3A_240, %iota3A, %broadcast_in_dim3A_242 : vector<1000x512xi1>, vector<1000x512xi32>
    %reduce_min3A_244 = arith.constant dense<2147483647> : vector<1000xi32>
    %reduce_min3A_245 = vector.multi_reduction <minsi>, %select_n3A_243, %reduce_min3A_244 [1] : vector<1000x512xi32> to vector<1000xi32>
    %broadcast_in_dim3A_246 = vector.shape_cast %reduce_min3A_245 : vector<1000xi32> to vector<1000x1xi32>
    %eq3A_247 = vector.broadcast %broadcast_in_dim3A_246 : vector<1000x1xi32> to vector<1000x512xi32>
    %eq3A_248 = arith.cmpi eq, %iota3A, %eq3A_247 : vector<1000x512xi32>
    %jit3A_249 = arith.constant 1.000000e+00 : f32
    %broadcast_in_dim3A_250 = vector.broadcast %jit3A_249 : f32 to vector<1000x512xf32>
    %select_n3A_251 = arith.select %eq3A_248, %broadcast_in_dim3A_250, %select_n3A_232 : vector<1000x512xi1>, vector<1000x512xf32>
    %jit3A_252 = arith.constant -3.000000e+38 : f32
    %broadcast_in_dim3A_253 = vector.broadcast %jit3A_252 : f32 to vector<1000x512xf32>
    %select_n3A_254 = arith.select %eq3A_248, %broadcast_in_dim3A_253, %select_n3A_235 : vector<1000x512xi1>, vector<1000x512xf32>
    %reduce_max3A_255 = arith.constant dense<0xFF800000> : vector<1000xf32>
    %reduce_max3A_256 = vector.multi_reduction <maximumf>, %select_n3A_254, %reduce_max3A_255 [1] : vector<1000x512xf32> to vector<1000xf32>
    %broadcast_in_dim3A_257 = vector.shape_cast %reduce_max3A_256 : vector<1000xf32> to vector<1000x1xf32>
    %ge3A_258 = vector.broadcast %broadcast_in_dim3A_257 : vector<1000x1xf32> to vector<1000x512xf32>
    %ge3A_259 = arith.cmpf oge, %select_n3A_254, %ge3A_258 : vector<1000x512xf32>
    %jit3A_260 = arith.constant 512 : i32
    %broadcast_in_dim3A_261 = vector.broadcast %jit3A_260 : i32 to vector<1000x512xi32>
    %select_n3A_262 = arith.select %ge3A_259, %iota3A, %broadcast_in_dim3A_261 : vector<1000x512xi1>, vector<1000x512xi32>
    %reduce_min3A_263 = arith.constant dense<2147483647> : vector<1000xi32>
    %reduce_min3A_264 = vector.multi_reduction <minsi>, %select_n3A_262, %reduce_min3A_263 [1] : vector<1000x512xi32> to vector<1000xi32>
    %broadcast_in_dim3A_265 = vector.shape_cast %reduce_min3A_264 : vector<1000xi32> to vector<1000x1xi32>
    %eq3A_266 = vector.broadcast %broadcast_in_dim3A_265 : vector<1000x1xi32> to vector<1000x512xi32>
    %eq3A_267 = arith.cmpi eq, %iota3A, %eq3A_266 : vector<1000x512xi32>
    %jit3A_268 = arith.constant 1.000000e+00 : f32
    %broadcast_in_dim3A_269 = vector.broadcast %jit3A_268 : f32 to vector<1000x512xf32>
    %select_n3A_270 = arith.select %eq3A_267, %broadcast_in_dim3A_269, %select_n3A_251 : vector<1000x512xi1>, vector<1000x512xf32>
    %jit3A_271 = arith.constant -3.000000e+38 : f32
    %broadcast_in_dim3A_272 = vector.broadcast %jit3A_271 : f32 to vector<1000x512xf32>
    %select_n3A_273 = arith.select %eq3A_267, %broadcast_in_dim3A_272, %select_n3A_254 : vector<1000x512xi1>, vector<1000x512xf32>
    %reduce_max3A_274 = arith.constant dense<0xFF800000> : vector<1000xf32>
    %reduce_max3A_275 = vector.multi_reduction <maximumf>, %select_n3A_273, %reduce_max3A_274 [1] : vector<1000x512xf32> to vector<1000xf32>
    %broadcast_in_dim3A_276 = vector.shape_cast %reduce_max3A_275 : vector<1000xf32> to vector<1000x1xf32>
    %ge3A_277 = vector.broadcast %broadcast_in_dim3A_276 : vector<1000x1xf32> to vector<1000x512xf32>
    %ge3A_278 = arith.cmpf oge, %select_n3A_273, %ge3A_277 : vector<1000x512xf32>
    %jit3A_279 = arith.constant 512 : i32
    %broadcast_in_dim3A_280 = vector.broadcast %jit3A_279 : i32 to vector<1000x512xi32>
    %select_n3A_281 = arith.select %ge3A_278, %iota3A, %broadcast_in_dim3A_280 : vector<1000x512xi1>, vector<1000x512xi32>
    %reduce_min3A_282 = arith.constant dense<2147483647> : vector<1000xi32>
    %reduce_min3A_283 = vector.multi_reduction <minsi>, %select_n3A_281, %reduce_min3A_282 [1] : vector<1000x512xi32> to vector<1000xi32>
    %broadcast_in_dim3A_284 = vector.shape_cast %reduce_min3A_283 : vector<1000xi32> to vector<1000x1xi32>
    %eq3A_285 = vector.broadcast %broadcast_in_dim3A_284 : vector<1000x1xi32> to vector<1000x512xi32>
    %eq3A_286 = arith.cmpi eq, %iota3A, %eq3A_285 : vector<1000x512xi32>
    %jit3A_287 = arith.constant 1.000000e+00 : f32
    %broadcast_in_dim3A_288 = vector.broadcast %jit3A_287 : f32 to vector<1000x512xf32>
    %select_n3A_289 = arith.select %eq3A_286, %broadcast_in_dim3A_288, %select_n3A_270 : vector<1000x512xi1>, vector<1000x512xf32>
    %jit3A_290 = arith.constant -3.000000e+38 : f32
    %broadcast_in_dim3A_291 = vector.broadcast %jit3A_290 : f32 to vector<1000x512xf32>
    %select_n3A_292 = arith.select %eq3A_286, %broadcast_in_dim3A_291, %select_n3A_273 : vector<1000x512xi1>, vector<1000x512xf32>
    %reduce_max3A_293 = arith.constant dense<0xFF800000> : vector<1000xf32>
    %reduce_max3A_294 = vector.multi_reduction <maximumf>, %select_n3A_292, %reduce_max3A_293 [1] : vector<1000x512xf32> to vector<1000xf32>
    %broadcast_in_dim3A_295 = vector.shape_cast %reduce_max3A_294 : vector<1000xf32> to vector<1000x1xf32>
    %ge3A_296 = vector.broadcast %broadcast_in_dim3A_295 : vector<1000x1xf32> to vector<1000x512xf32>
    %ge3A_297 = arith.cmpf oge, %select_n3A_292, %ge3A_296 : vector<1000x512xf32>
    %jit3A_298 = arith.constant 512 : i32
    %broadcast_in_dim3A_299 = vector.broadcast %jit3A_298 : i32 to vector<1000x512xi32>
    %select_n3A_300 = arith.select %ge3A_297, %iota3A, %broadcast_in_dim3A_299 : vector<1000x512xi1>, vector<1000x512xi32>
    %reduce_min3A_301 = arith.constant dense<2147483647> : vector<1000xi32>
    %reduce_min3A_302 = vector.multi_reduction <minsi>, %select_n3A_300, %reduce_min3A_301 [1] : vector<1000x512xi32> to vector<1000xi32>
    %broadcast_in_dim3A_303 = vector.shape_cast %reduce_min3A_302 : vector<1000xi32> to vector<1000x1xi32>
    %eq3A_304 = vector.broadcast %broadcast_in_dim3A_303 : vector<1000x1xi32> to vector<1000x512xi32>
    %eq3A_305 = arith.cmpi eq, %iota3A, %eq3A_304 : vector<1000x512xi32>
    %jit3A_306 = arith.constant 1.000000e+00 : f32
    %broadcast_in_dim3A_307 = vector.broadcast %jit3A_306 : f32 to vector<1000x512xf32>
    %select_n3A_308 = arith.select %eq3A_305, %broadcast_in_dim3A_307, %select_n3A_289 : vector<1000x512xi1>, vector<1000x512xf32>
    %jit3A_309 = arith.constant -3.000000e+38 : f32
    %broadcast_in_dim3A_310 = vector.broadcast %jit3A_309 : f32 to vector<1000x512xf32>
    %select_n3A_311 = arith.select %eq3A_305, %broadcast_in_dim3A_310, %select_n3A_292 : vector<1000x512xi1>, vector<1000x512xf32>
    %reduce_max3A_312 = arith.constant dense<0xFF800000> : vector<1000xf32>
    %reduce_max3A_313 = vector.multi_reduction <maximumf>, %select_n3A_311, %reduce_max3A_312 [1] : vector<1000x512xf32> to vector<1000xf32>
    %broadcast_in_dim3A_314 = vector.shape_cast %reduce_max3A_313 : vector<1000xf32> to vector<1000x1xf32>
    %ge3A_315 = vector.broadcast %broadcast_in_dim3A_314 : vector<1000x1xf32> to vector<1000x512xf32>
    %ge3A_316 = arith.cmpf oge, %select_n3A_311, %ge3A_315 : vector<1000x512xf32>
    %jit3A_317 = arith.constant 512 : i32
    %broadcast_in_dim3A_318 = vector.broadcast %jit3A_317 : i32 to vector<1000x512xi32>
    %select_n3A_319 = arith.select %ge3A_316, %iota3A, %broadcast_in_dim3A_318 : vector<1000x512xi1>, vector<1000x512xi32>
    %reduce_min3A_320 = arith.constant dense<2147483647> : vector<1000xi32>
    %reduce_min3A_321 = vector.multi_reduction <minsi>, %select_n3A_319, %reduce_min3A_320 [1] : vector<1000x512xi32> to vector<1000xi32>
    %broadcast_in_dim3A_322 = vector.shape_cast %reduce_min3A_321 : vector<1000xi32> to vector<1000x1xi32>
    %eq3A_323 = vector.broadcast %broadcast_in_dim3A_322 : vector<1000x1xi32> to vector<1000x512xi32>
    %eq3A_324 = arith.cmpi eq, %iota3A, %eq3A_323 : vector<1000x512xi32>
    %jit3A_325 = arith.constant 1.000000e+00 : f32
    %broadcast_in_dim3A_326 = vector.broadcast %jit3A_325 : f32 to vector<1000x512xf32>
    %select_n3A_327 = arith.select %eq3A_324, %broadcast_in_dim3A_326, %select_n3A_308 : vector<1000x512xi1>, vector<1000x512xf32>
    %jit3A_328 = arith.constant -3.000000e+38 : f32
    %broadcast_in_dim3A_329 = vector.broadcast %jit3A_328 : f32 to vector<1000x512xf32>
    %select_n3A_330 = arith.select %eq3A_324, %broadcast_in_dim3A_329, %select_n3A_311 : vector<1000x512xi1>, vector<1000x512xf32>
    %reduce_max3A_331 = arith.constant dense<0xFF800000> : vector<1000xf32>
    %reduce_max3A_332 = vector.multi_reduction <maximumf>, %select_n3A_330, %reduce_max3A_331 [1] : vector<1000x512xf32> to vector<1000xf32>
    %broadcast_in_dim3A_333 = vector.shape_cast %reduce_max3A_332 : vector<1000xf32> to vector<1000x1xf32>
    %ge3A_334 = vector.broadcast %broadcast_in_dim3A_333 : vector<1000x1xf32> to vector<1000x512xf32>
    %ge3A_335 = arith.cmpf oge, %select_n3A_330, %ge3A_334 : vector<1000x512xf32>
    %jit3A_336 = arith.constant 512 : i32
    %broadcast_in_dim3A_337 = vector.broadcast %jit3A_336 : i32 to vector<1000x512xi32>
    %select_n3A_338 = arith.select %ge3A_335, %iota3A, %broadcast_in_dim3A_337 : vector<1000x512xi1>, vector<1000x512xi32>
    %reduce_min3A_339 = arith.constant dense<2147483647> : vector<1000xi32>
    %reduce_min3A_340 = vector.multi_reduction <minsi>, %select_n3A_338, %reduce_min3A_339 [1] : vector<1000x512xi32> to vector<1000xi32>
    %broadcast_in_dim3A_341 = vector.shape_cast %reduce_min3A_340 : vector<1000xi32> to vector<1000x1xi32>
    %eq3A_342 = vector.broadcast %broadcast_in_dim3A_341 : vector<1000x1xi32> to vector<1000x512xi32>
    %eq3A_343 = arith.cmpi eq, %iota3A, %eq3A_342 : vector<1000x512xi32>
    %jit3A_344 = arith.constant 1.000000e+00 : f32
    %broadcast_in_dim3A_345 = vector.broadcast %jit3A_344 : f32 to vector<1000x512xf32>
    %select_n3A_346 = arith.select %eq3A_343, %broadcast_in_dim3A_345, %select_n3A_327 : vector<1000x512xi1>, vector<1000x512xf32>
    %jit3A_347 = arith.constant -3.000000e+38 : f32
    %broadcast_in_dim3A_348 = vector.broadcast %jit3A_347 : f32 to vector<1000x512xf32>
    %select_n3A_349 = arith.select %eq3A_343, %broadcast_in_dim3A_348, %select_n3A_330 : vector<1000x512xi1>, vector<1000x512xf32>
    %reduce_max3A_350 = arith.constant dense<0xFF800000> : vector<1000xf32>
    %reduce_max3A_351 = vector.multi_reduction <maximumf>, %select_n3A_349, %reduce_max3A_350 [1] : vector<1000x512xf32> to vector<1000xf32>
    %broadcast_in_dim3A_352 = vector.shape_cast %reduce_max3A_351 : vector<1000xf32> to vector<1000x1xf32>
    %ge3A_353 = vector.broadcast %broadcast_in_dim3A_352 : vector<1000x1xf32> to vector<1000x512xf32>
    %ge3A_354 = arith.cmpf oge, %select_n3A_349, %ge3A_353 : vector<1000x512xf32>
    %jit3A_355 = arith.constant 512 : i32
    %broadcast_in_dim3A_356 = vector.broadcast %jit3A_355 : i32 to vector<1000x512xi32>
    %select_n3A_357 = arith.select %ge3A_354, %iota3A, %broadcast_in_dim3A_356 : vector<1000x512xi1>, vector<1000x512xi32>
    %reduce_min3A_358 = arith.constant dense<2147483647> : vector<1000xi32>
    %reduce_min3A_359 = vector.multi_reduction <minsi>, %select_n3A_357, %reduce_min3A_358 [1] : vector<1000x512xi32> to vector<1000xi32>
    %broadcast_in_dim3A_360 = vector.shape_cast %reduce_min3A_359 : vector<1000xi32> to vector<1000x1xi32>
    %eq3A_361 = vector.broadcast %broadcast_in_dim3A_360 : vector<1000x1xi32> to vector<1000x512xi32>
    %eq3A_362 = arith.cmpi eq, %iota3A, %eq3A_361 : vector<1000x512xi32>
    %jit3A_363 = arith.constant 1.000000e+00 : f32
    %broadcast_in_dim3A_364 = vector.broadcast %jit3A_363 : f32 to vector<1000x512xf32>
    %select_n3A_365 = arith.select %eq3A_362, %broadcast_in_dim3A_364, %select_n3A_346 : vector<1000x512xi1>, vector<1000x512xf32>
    %slice3A = vector.extract_strided_slice %select_n3A_365 {offsets = [0, 0], sizes = [1000, 500], strides = [1, 1]} : vector<1000x512xf32> to vector<1000x500xf32>
    %swap3A = arith.constant 0 : index
    %swap3A_366 = arith.constant 0 : index
    %swap3A_367 = vector.load %arg16[%swap3A, %swap3A_366] : memref<1000x500xf32, #tpu.memory_space<vmem>>, vector<1000x500xf32>
    tpu.vector_store %arg16[%swap3A, %swap3A_366], %slice3A {strides = array<i32>} : memref<1000x500xf32, #tpu.memory_space<vmem>>, vector<1000x500xf32>,
    %concatenate3A_368 = tpu.concatenate %broadcast_in_dim3A_70, %broadcast_in_dim3A_86, %broadcast_in_dim3A_105, %broadcast_in_dim3A_124, %broadcast_in_dim3A_143, %broadcast_in_dim3A_162, %broadcast_in_dim3A_181, %broadcast_in_dim3A_200, %broadcast_in_dim3A_219, %broadcast_in_dim3A_238, %broadcast_in_dim3A_257, %broadcast_in_dim3A_276, %broadcast_in_dim3A_295, %broadcast_in_dim3A_314, %broadcast_in_dim3A_333, %broadcast_in_dim3A_352 in 1 : vector<1000x1xf32>, vector<1000x1xf32>, vector<1000x1xf32>, vector<1000x1xf32>, vector<1000x1xf32>, vector<1000x1xf32>, vector<1000x1xf32>, vector<1000x1xf32>, vector<1000x1xf32>, vector<1000x1xf32>, vector<1000x1xf32>, vector<1000x1xf32>, vector<1000x1xf32>, vector<1000x1xf32>, vector<1000x1xf32>, vector<1000x1xf32> -> vector<1000x16xf32>
    %swap3A_369 = arith.constant 0 : index
    %swap3A_370 = arith.constant 0 : index
    %swap3A_371 = vector.load %arg17[%swap3A_369, %swap3A_370] : memref<1000x16xf32, #tpu.memory_space<vmem>>, vector<1000x16xf32>
    tpu.vector_store %arg17[%swap3A_369, %swap3A_370], %concatenate3A_368 {strides = array<i32>} : memref<1000x16xf32, #tpu.memory_space<vmem>>, vector<1000x16xf32>,
    return
  }
  func.func @transform_0(%arg0: i32) -> (i32, i32) {
    %c0_i32 = arith.constant 0 : i32
    %c0_i32_0 = arith.constant 0 : i32
    return %arg0, %c0_i32 : i32, i32
  }
  func.func @transform_1(%arg0: i32) -> (i32, i32) {
    %c0_i32 = arith.constant 0 : i32
    %c0_i32_0 = arith.constant 0 : i32
    return %arg0, %c0_i32 : i32, i32
  }
  func.func @transform_2(%arg0: i32) -> (i32, i32) {
    %c0_i32 = arith.constant 0 : i32
    %c0_i32_0 = arith.constant 0 : i32
    return %arg0, %c0_i32 : i32, i32
  }
  func.func @transform_3(%arg0: i32) -> (i32, i32) {
    %c0_i32 = arith.constant 0 : i32
    %c0_i32_0 = arith.constant 0 : i32
    return %arg0, %c0_i32 : i32, i32
  }
  func.func @transform_4(%arg0: i32) -> (i32, i32) {
    %c0_i32 = arith.constant 0 : i32
    %c0_i32_0 = arith.constant 0 : i32
    return %arg0, %c0_i32 : i32, i32
  }
  func.func @transform_5(%arg0: i32) -> (i32, i32) {
    %c0_i32 = arith.constant 0 : i32
    %c0_i32_0 = arith.constant 0 : i32
    return %arg0, %c0_i32 : i32, i32
  }
  func.func @transform_6(%arg0: i32) -> (i32, i32) {
    %c0_i32 = arith.constant 0 : i32
    %c0_i32_0 = arith.constant 0 : i32
    return %arg0, %c0_i32 : i32, i32
  }
  func.func @transform_7(%arg0: i32) -> (i32, i32) {
    %c0_i32 = arith.constant 0 : i32
    %c0_i32_0 = arith.constant 0 : i32
    return %arg0, %c0_i32 : i32, i32
  }
  func.func @transform_8(%arg0: i32) -> (i32, i32) {
    %c0_i32 = arith.constant 0 : i32
    %c0_i32_0 = arith.constant 0 : i32
    return %arg0, %c0_i32 : i32, i32
  }
  func.func @transform_9(%arg0: i32) -> (i32, i32) {
    %c0_i32 = arith.constant 0 : i32
    %c0_i32_0 = arith.constant 0 : i32
    return %arg0, %c0_i32 : i32, i32
  }
  func.func @transform_10(%arg0: i32) -> (i32, i32) {
    %c0_i32 = arith.constant 0 : i32
    %c0_i32_0 = arith.constant 0 : i32
    return %arg0, %c0_i32 : i32, i32
  }
  func.func @transform_11(%arg0: i32) -> (i32, i32) {
    %c0_i32 = arith.constant 0 : i32
    %c0_i32_0 = arith.constant 0 : i32
    return %arg0, %c0_i32 : i32, i32
  }
  func.func @transform_12(%arg0: i32) -> (i32, i32) {
    %c0_i32 = arith.constant 0 : i32
    %c0_i32_0 = arith.constant 0 : i32
    return %arg0, %c0_i32 : i32, i32
  }
  func.func @transform_13(%arg0: i32) -> (i32, i32) {
    %c0_i32 = arith.constant 0 : i32
    %c0_i32_0 = arith.constant 0 : i32
    return %arg0, %c0_i32 : i32, i32
  }
  func.func @transform_14(%arg0: i32) -> (i32, i32) {
    %c0_i32 = arith.constant 0 : i32
    %c0_i32_0 = arith.constant 0 : i32
    return %arg0, %c0_i32 : i32, i32
  }
  func.func @transform_15(%arg0: i32) -> (i32, i32) {
    %c0_i32 = arith.constant 0 : i32
    %c0_i32_0 = arith.constant 0 : i32
    return %arg0, %c0_i32 : i32, i32
  }
  func.func @transform_16(%arg0: i32) -> (i32, i32) {
    %c0_i32 = arith.constant 0 : i32
    %c0_i32_0 = arith.constant 0 : i32
    return %arg0, %c0_i32 : i32, i32
  }
}

</mosaic_0001>

<sc_bundles>
// kernel: kernel.5.cloned.1.call-start
scs
__scs_entry_jumppad:
0x0: {  	(pc) =	sbr.rel $0x88, $3  }
0x1: {  	(tag) =	ssettag $0x0;
	lr =	simm.s32 $0x1  }
0x2: {  	[smem:$0x3F9C] =	sst lr;
	_ =	strace $0xD0000000  }
0x3: {  	_ = 	snop  }
0x4: {  	_ = 	snop  }
0x5: {  	_ = 	snop  }
0x6: {  	_ = 	snop  }
0x7: {  	_ = 	snop  }
__scs_overlays_trampoline_lowered:
0x8: {  	[smem:$0x3FAB] =	sst s0  }
0x9: {  	[smem:$0x3FAC] =	sst s1  }
0xa: {  	[smem:$0x3FAD] =	sst s2  }
0xb: {  	[smem:$0x3FAE] =	sst s3  }
0xc: {  	[smem:$0x3FAF] =	sst s4  }
0xd: {  	[smem:$0x3FB0] =	sst s5  }
0xe: {  	[smem:$0x3FB1] =	sst s6  }
0xf: {  	[smem:$0x3FB2] =	sst s7  }
0x10: {  	[smem:$0x3FB3] =	sst s8  }
0x11: {  	[smem:$0x3FB4] =	sst s9;
	s0 =	simm.s32 @!p0 $0x0  }
0x12: {  	s1 =	sld [smem:$0x3F9A];
	s0 =	simm.s32 @p0 $0x1  }
0x13: {  	[smem:$0x3FB5] =	sst s0;
	s0 =	simm.s32 @!p1 $0x0  }
0x14: {  	s2 =	sld [smem:$0x3F99];
	s0 =	simm.s32 @p1 $0x1  }
0x15: {  	[smem:$0x3FB6] =	sst s0;
	s0 =	simm.s32 @!p2 $0x0  }
0x16: {  	s3 =	sld [smem:$0x3FDB];
	s0 =	simm.s32 @p2 $0x1  }
0x17: {  	s4 =	simm.s32 $0x1BF5;
	[smem:$0x3FB8] =	sst s0  }
0x18: {  	s0 =	sld [smem:$0x3F9B];
	_ =	swait.ge [sflag:s4], $0x0  }
0x19: {  	s7 =	sld [smem:$0x3F9C]  }
0x1a: {  	s8 =	sadd.s32 $0xFFFFE003, lr  }
0x1b: {  	s9 =	sadd.s32 $0xFFFFFEF7, lr;
	s5 =	simm.s32 $0xFFFFFFFF;
	p2 =	slt.u32 s8, $0xFFFFF086  }
0x1c: {  	p1 =	slt.u32 s9, $0xF7A;
	s5 =	simm.s32 @!p2 $0x0  }
0x1d: {  	s5 =	simm.s32 @p1 $0x1;
	p0 =	seq.s32 s7, s2  }
0x1e: {  	s7 =	smul.u32 @!p0 $0xF7A, s2;
	p2 =	seq.s32 @!p0 s5, $0x0  }
0x1f: {  	s9 =	smul.u32 $0xF7A, s1;
	s8 =	simm.s32 @!p0 $0x1BF5;
	p2 =	por !p2, p0  }
0x20: {  	[sflag:s8] =	ssyncset.s32 @!p0 $0xFFFFF086;
	s6 =	sadd.s32 @!p0 s3, s7;
	s7 =	simm.s32 @!p0 $0x108  }
0x21: {  	s3 =	sadd.s32 s3, s9;
	s6 =	sadd.s32 @!p0 $0x88, s6;
	s7 =	simm.s32 @p2 $0x1082  }
0x22: {  	[simem:s7], [sflag:s8] =	dma.local @!p0 [hbm:s6], $0xF7A  }
0x23: {  	s9 =	sor.u32 $0xD0000000, s2;
	s6 =	simm.s32 $0x108;
	_ =	swait.ge @!p0 [sflag:s8], $0x0  }
0x24: {  	s3 =	sadd.s32 $0x88, s3;
	s6 =	simm.s32 @!p1 $0x1082;
	[sflag:s4] =	ssyncset.s32 $0xFFFFF086  }
0x25: {  	[simem:s6], [sflag:s4] =	dma.local [hbm:s3], $0xF7A  }
0x26: {  	[smem:$0x3F9C] =	sst s1;
	(tag) =	ssettag s2;
	_ =	strace s9  }
0x27: {  	s1 =	sld [smem:$0x3FAC]  }
0x28: {  	s2 =	sld [smem:$0x3FAD]  }
0x29: {  	s4 =	sld [smem:$0x3FAF]  }
0x2a: {  	p0 =	seq.s32 s5, $0x0;
	s5 =	sld [smem:$0x3FB0]  }
0x2b: {  	s6 =	sld [smem:$0x3FB1]  }
0x2c: {  	s7 =	sld [smem:$0x3FB2]  }
0x2d: {  	s3 =	simm.s32 $0x108;
	s8 =	sld [smem:$0x3FB3]  }
0x2e: {  	s3 =	simm.s32 @!p0 $0x1082;
	s9 =	sld [smem:$0x3FB4]  }
0x2f: {  	lr =	sadd.s32 s0, s3;
	s0 =	sld [smem:$0x3FAB]  }
0x30: {  	s3 =	sld [smem:$0x3FAE]  }
0x31: {  	[smem:$0x3FB7] =	sst s10  }
0x32: {  	s10 =	sld [smem:$0x3FB5];
	_ =	sdelay $0x3  }
0x33: {  	p0 =	seq.s32 s10, $0x1;
	s10 =	sld [smem:$0x3FB7];
	_ =	sdelay $0x3  }
0x34: {  	[smem:$0x3FB7] =	sst s10  }
0x35: {  	s10 =	sld [smem:$0x3FB6];
	_ =	sdelay $0x3  }
0x36: {  	p1 =	seq.s32 s10, $0x1;
	s10 =	sld [smem:$0x3FB7];
	_ =	sdelay $0x3  }
0x37: {  	[smem:$0x3FB7] =	sst s10  }
0x38: {  	s10 =	sld [smem:$0x3FB8]  }
0x39: {  	_ = 	snop;
	(pc) =	sbr.ind lr, $3  }
0x3a: {  	_ = 	snop  }
0x3b: {  	_ = 	snop  }
0x3c: {  	p2 =	seq.s32 s10, $0x1;
	s10 =	sld [smem:$0x3FB7]  }
0x3d: {  	_ =	shalt  }
0x3e: {  	_ =	shalt  }
0x3f: {  	_ =	shalt  }
0x40: {  	_ =	shalt  }
0x41: {  	_ =	shalt  }
0x42: {  	_ =	shalt  }
0x43: {  	_ =	shalt  }
0x44: {  	_ =	shalt  }
0x45: {  	_ =	shalt  }
0x46: {  	_ =	shalt  }
0x47: {  	_ =	shalt  }
0x48: {  	_ =	shalt  }
0x49: {  	_ =	shalt  }
0x4a: {  	_ =	shalt  }
0x4b: {  	_ =	shalt  }
0x4c: {  	_ =	shalt  }
0x4d: {  	_ =	shalt  }
0x4e: {  	_ =	shalt  }
0x4f: {  	_ =	shalt  }
0x50: {  	_ =	shalt  }
0x51: {  	_ =	shalt  }
0x52: {  	_ =	shalt  }
0x53: {  	_ =	shalt  }
0x54: {  	_ =	shalt  }
0x55: {  	_ =	shalt  }
0x56: {  	_ =	shalt  }
0x57: {  	_ =	shalt  }
0x58: {  	_ =	shalt  }
0x59: {  	_ =	shalt  }
0x5a: {  	_ =	shalt  }
0x5b: {  	_ =	shalt  }
0x5c: {  	_ =	shalt  }
0x5d: {  	_ =	shalt  }
0x5e: {  	_ =	shalt  }
0x5f: {  	_ =	shalt  }
0x60: {  	_ =	shalt  }
0x61: {  	_ =	shalt  }
0x62: {  	_ =	shalt  }
0x63: {  	_ =	shalt  }
0x64: {  	_ =	shalt  }
0x65: {  	_ =	shalt  }
0x66: {  	_ =	shalt  }
0x67: {  	_ =	shalt  }
0x68: {  	_ =	shalt  }
0x69: {  	_ =	shalt  }
0x6a: {  	_ =	shalt  }
0x6b: {  	_ =	shalt  }
0x6c: {  	_ =	shalt  }
0x6d: {  	_ =	shalt  }
0x6e: {  	_ =	shalt  }
0x6f: {  	_ =	shalt  }
0x70: {  	_ =	shalt  }
0x71: {  	_ =	shalt  }
0x72: {  	_ =	shalt  }
0x73: {  	_ =	shalt  }
0x74: {  	_ =	shalt  }
0x75: {  	_ =	shalt  }
0x76: {  	_ =	shalt  }
0x77: {  	_ =	shalt  }
0x78: {  	_ =	shalt  }
0x79: {  	_ =	shalt  }
0x7a: {  	_ =	shalt  }
0x7b: {  	_ =	shalt  }
0x7c: {  	_ =	shalt  }
0x7d: {  	_ =	shalt  }
0x7e: {  	_ =	shalt  }
0x7f: {  	_ =	shalt  }
0x80: {  	_ =	shalt  }
0x81: {  	_ =	shalt  }
0x82: {  	_ =	shalt  }
0x83: {  	_ =	shalt  }
0x84: {  	_ =	shalt  }
0x85: {  	_ =	shalt  }
0x86: {  	_ =	shalt  }
0x87: {  	_ =	shalt  }
.Lfunc_end0:
.L_simem_size_0:
called_computation_lowered:
.L_overlay_start_0:
0x88: {  	s2 =	sld [smem:$0x3FD9]  }
0x89: {  	s3 =	sld [smem:$0x3FFE];
	_ =	sdelay $0x1  }
0x8a: {  	s1 =	srdreg.scid  }
0x8b: {  	s0 =	sand.u32 $0x1, s1  }
0x8c: {  	s14 =	sshll.u32 s0, $0xA;
	s2 =	sadd.s32 s3, s2  }
0x8d: {  	s2 =	sadd.s32 s2, s14  }
0x8e: {  	[smem:$0x3FC3] =	sst s2  }
0x8f: {  	_ = 	snop  }
0x90: {  	s2 =	sld [smem:$0x3FD0];
	_ =	sdelay $0x2  }
0x91: {  	s15 =	simm.s32 $0xA;
	s4 =	simm.s32 $0x10  }
0x92: {  	[smem:s4], [sflag:s15] =	dma.local [hbm:s2], $0x1  }
0x93: {  	_ =	swait.eq [sflag:s15], $0x1  }
0x94: {  	[sflag:s15] =	ssyncset.done $0x0  }
0x95: {  	s16 =	sld [smem:$0x11];
	[sflag:s15] =	ssyncadd.s32 $0xFFFFFFFF  }
0x96: {  	s17 =	sld [smem:$0x12];
	(tm) =	ssettm $0x1  }
0x97: {  	s18 =	sld [smem:$0x3FFB];
	_ =	sdelay $0x3  }
0x98: {  	_ =	strace s18  }
0x99: {  	s4 =	sld [smem:$0x3FFC];
	_ =	sdelay $0x3  }
0x9a: {  	_ =	strace s4  }
0x9b: {  	s4 =	sld [smem:$0x3FFD];
	_ =	sdelay $0x3  }
0x9c: {  	_ =	strace s4  }
0x9d: {  	_ =	strace $0x8FFFFFFF  }
0x9e: {  	s19 =	sld [smem:$0x3FDB];
	_ =	sdelay $0x1  }
0x9f: {  	s5 =	simm.s32 $_scs_section_size  }
0xa0: {  	s6 =	simm.s32 $_size__tile_overlayer_lowered;
	s7 =	simm.s32 $_tile_overlayer_lowered  }
0xa1: {  	s22 =	simm.s32 $0x1BFF;
	s21 =	sshll.u32 s7, $0x1;
	s4 =	sadd.s32 s5, s19  }
0xa2: {  	s8 =	simm.s32 $0x0;
	s20 =	sshll.u32 s6, $0x1;
	s6 =	sadd.s32 s21, s4  }
0xa3: {  	[timem:s8], [sflag:s22] =	dma.local [hbm:s6], s20  }
0xa4: {  	_ =	swait.ge [sflag:s22], s20  }
0xa5: {  	s5 =	ssub.s32 $0x0, s20;
	[sflag:s22] =	ssyncset.done $0x0  }
0xa6: {  	[sflag:s22] =	ssyncadd.s32 s5;
	_ =	sdelay $0x1  }
0xa7: {  	s23 =	simm.s32 $0x1B8B  }
0xa8: {  	_ =	swait.ge [sflag:s23], $0x1  }
0xa9: {  	[sflag:s23] =	ssyncset.done $0x0  }
0xaa: {  	s25 =	simm.s32 $0x1B8E;
	s24 =	sld [smem:$0x3FFE];
	[sflag:s23] =	ssyncadd.s32 $0xFFFFFFFF  }
0xab: {  	s26 =	simm.s32 $execute0_lowered;
	[smem:$0x3FD2] =	sst s25  }
0xac: {  	s6 =	sshll.u32 s26, $0x1;
	_ =	strace $0x80000046;
	[dreg:$0x1] =	wrdreg $0xFFFFFFFF  }
0xad: {  	s28 =	simm.s32 $_size_execute0_lowered;
	s4 =	sadd.s32 s4, s6;
	[dreg:$0x0] =	wrdreg $0x0  }
0xae: {  	s6 =	sshll.u32 s28, $0x1;
	[dreg:$0x2] =	wrdreg s4  }
0xaf: {  	[dreg:$0x3] =	wrdreg s6  }
0xb0: {  	[dreg:$0x4] =	wrdreg $0xC0  }
0xb1: {  	_ =	task [dreg:s8], $0x5FFFF  }
0xb2: {  	[dreg:$0x1] =	wrdreg $0xFFFFFFFF  }
0xb3: {  	[dreg:$0x0] =	wrdreg $0x60  }
0xb4: {  	[dreg:$0x2] =	wrdreg s24  }
0xb5: {  	[dreg:$0x3] =	wrdreg s16  }
0xb6: {  	[dreg:$0x4] =	wrdreg s17  }
0xb7: {  	[dreg:$0x5] =	wrdreg $0xA8800  }
0xb8: {  	[dreg:$0x6] =	wrdreg $0x9  }
0xb9: {  	_ =	task.clear_ibuf [dreg:s8], $0x7FFFF;
	_ =	strace $0x90000046  }
0xba: {  	s29 =	simm.s32 $0x9;
	_ =	strace $0x80000048  }
0xbb: {  	_ =	swait.ge [sflag:s29], $0x1  }
0xbc: {  	[sflag:s29] =	ssyncadd.s32 $0xFFFFFFFF  }
0xbd: {  	_ =	strace $0x90000048  }
0xbe: {  	_ =	sfence  }
0xbf: {  	s30 =	sld [smem:$0x0];
	_ =	sdelay $0x2  }
0xc0: {  	s31 =	sshll.u32 s1, $0xD;
	s1 =	sshrl.u32 s1, $0x2  }
0xc1: {  	s3 =	sand.u32 $0x4000, s31;
	s1 =	sadd.s32 s1, s30  }
0xc2: {  	s0 =	sor.u32 s3, s0;
	s1 =	sshll.u32 s1, $0x11  }
0xc3: {  	s0 =	sor.u32 s1, s0  }
0xc4: {  	s0 =	sadd.s32 $0x8F2B, s0  }
0xc5: {  	[sflag:s0] =	ssyncadd.remote.s32 $0x1  }
0xc6: {  	_ =	sfence.sel $0xFFFF  }
0xc7: {  	[dreg:$0x0] =	wrdreg $0xFFFFFFFF;
	(pc) =	sbr.abs _section_cstart, $3  }
0xc8: {  	[dreg:$0x1] =	wrdreg $0xFFFFFFFF  }
0xc9: {  	_ =	task.clear_ibuf [dreg:s8], $0x2FFFF;
	_ =	strace $0x9FFFFFFF  }
0xca: {  	(tm) =	ssettm $0x7FFFFFFF  }
0xcb: {  	_ =	shalt  }
tec
execute0_lowered:
.L_overlay_start_1:
0x0: {  	(tag) =	ssettag $0x1  }
0x1: {  	s0 =	rddreg [dreg:$0x0]  }
0x2: {  	s1 =	rddreg [dreg:$0x1]  }
0x3: {  	s2 =	rddreg [dreg:$0x3];
	s4 =	simm.s32 $0x0  }
0x4: {  	s3 =	srdreg.scid;
	s24 =	stileid.u32;
	s28 =	simm.s32 $0x2880  }
0x5: {  	s29 =	simm.s32 $0x2800;
	s30 =	simm.s32 $0x6880;
	s31 =	simm.s32 $0x1  }
0x6: {  	[smem:$0x7FF] =	sst s4;
	s5 =	sadd.s32 $0x8A200, s0;
	s6 =	sadd.s32 $0x14C00, s0  }
0x7: {  	s8 =	sadd.s32 $0x63000, s0;
	s11 =	sadd.s32 $0xB1400, s0;
	s15 =	sadd.s32 $0x100400, s0  }
0x8: {  	s3 =	sand.u32 $0x1, s3;
	s16 =	sadd.s32 $0x127C00, s0;
	s17 =	sadd.s32 $0x14F400, s0  }
0x9: {  	s7 =	sshll.u32 s24, $0x1;
	s18 =	sadd.s32 $0x176C00, s0;
	s19 =	sadd.s32 $0x19E400, s0  }
0xa: {  	s14 =	sadd.s32 $0xD8C00, s0;
	s20 =	sadd.s32 $0x1C5C00, s0;
	s22 =	smul.u32 $0x4F000, s24  }
0xb: {  	s23 =	smul.u32 $0x2780, s24;
	_ =	strace $0x80000047;
	s9 =	sor.u32 s3, s7  }
0xc: {  	s13 =	ssub.s32 $0x2, s3;
	p0 =	seq.s32 s3, $0x0;
	s3 =	smul.u32 $0x2780, s3  }
0xd: {  	s7 =	sadd.s32 $0x3BE00, s0;
	s10 =	smul.u32 $0x2780, s9;
	s9 =	sadd.s32 $0xAE00, s0  }
0xe: {  	s21 =	sshrl.u32 s13, $0x1;
	s18 =	smov.u32 @p0 s11;
	s11 =	sadd.s32 $0x1ED400, s0  }
0xf: {  	s25 =	sshrl.u32 s22, $0x2;
	s19 =	smov.u32 @p0 s14;
	s20 =	smov.u32 @p0 s15  }
0x10: {  	s21 =	ssub.s32 s13, s21;
	s26 =	sadd.s32 s25, s2;
	s13 =	smul.u32 $0x4F00, s24  }
0x11: {  	s18 =	sadd.s32 s18, s23;
	s19 =	sadd.s32 s19, s23;
	[dreg:$0x6] =	wrdreg s26  }
0x12: {  	s11 =	smov.u32 @p0 s16;
	s10 =	sshrl.u32 s10, $0x3;
	[dreg:$0x9] =	wrdreg s18  }
0x13: {  	s14 =	smax.u32 s21, $0x1;
	[dreg:$0xa] =	wrdreg s19;
	s21 =	sadd.s32 s20, s23  }
0x14: {  	s22 =	sadd.s32 s11, s23;
	s26 =	sshll.u32 s24, $0x6;
	[dreg:$0x8] =	wrdreg s14  }
0x15: {  	s12 =	sadd.s32 s10, s0;
	s0 =	sadd.s32 $0x214C00, s0;
	[dreg:$0xb] =	wrdreg s21  }
0x16: {  	s10 =	sadd.s32 s9, s10;
	[dreg:$0xc] =	wrdreg s22;
	s24 =	sor.u32 $0x1C05, s26  }
0x17: {  	s26 =	simm.s32 $0x80;
	s12 =	sadd.s32 $0x1000, s12;
	[dreg:$0x7] =	wrdreg s10  }
0x18: {  	s0 =	smov.u32 @p0 s17;
	s10 =	simm.s32 $0x0;
	[dreg:$0x5] =	wrdreg s12  }
0x19: {  	s12 =	sadd.s32 s1, s23;
	s1 =	sadd.s32 s3, s13;
	s0 =	sadd.s32 s0, s23  }
0x1a: {  	s23 =	simm.s32 $0x5;
	s3 =	simm.s32 $0x2;
	[dreg:$0xd] =	wrdreg s0  }
0x1b: {  	s25 =	sadd.s32 $0x80, s1;
	s20 =	sadd.s32 $0x100, s1;
	s1 =	sshrl.u32 s1, $0x3  }
0x1c: {  	s0 =	sshrl.u32 s25, $0x3;
	s22 =	sadd.s32 s1, s9;
	s25 =	simm.s32 $0x2780  }
0x1d: {  	s1 =	simm.s32 $0x4;
	s21 =	sadd.s32 s0, s9;
	s0 =	simm.s32 $0x3  }
.LBB2_1:
0x1e: {  	s11 =	rddreg [dreg:$0x5]  }
0x1f: {  	[tilespmem:s4], [sflag:$0x5] =	stream.linear.gather [hbm4b:s11+s4], $0x2780, $0x38;
	[tilespmem:$0x1E480] =	vst v63  }
0x20: {  	_ =	swait.ge [sflag:s23], $0x2780  }
0x21: {  	[sflag:s23] =	ssyncset.done $0x0;
	s17 =	rddreg [dreg:$0x6]  }
0x22: {  	[sflag:s23] =	ssyncadd.s32 $0xFFFFD880;
	s11 =	sshrl.u32 s17, $0x3  }
0x23: {  	[spmem:s11], [sflag:s24] =	dma.local [hbm:s12], $0x2780  }
0x24: {  	_ =	swait.ge [sflag:s23], $0x2780  }
0x25: {  	[sflag:s23] =	ssyncset.done $0x0  }
0x26: {  	[sflag:s23] =	ssyncadd.s32 $0xFFFFD880  }
0x27: {  	[bflag:$0x0] =	sbarrier.arrive $0xFFFF  }
0x28: {  	s13 =	rddreg [dreg:$0x7]  }
0x29: {  	[tilespmem:s25], [sflag:$0x3] =	stream.linear.gather [hbm4b:s13+s4], $0x80, $0x38;
	[tilespmem:$0x1E480] =	vst v63  }
0x2a: {  	_ = 	snop  }
0x2b: {  	[tilespmem:s28], [sflag:$0x1] =	stream.indirect.gather [hbm4b:s5+s26], $0x80, s4, s26, $0xb8;
	[tilespmem:$0x1E480] =	vst v63  }
0x2c: {  	s14 =	sadd.s32 $0x0, s21  }
0x2d: {  	[tilespmem:s29], [sflag:$0x4] =	stream.linear.gather [hbm4b:s14+s4], $0x80, $0x38;
	[tilespmem:$0x1E480] =	vst v63  }
0x2e: {  	s18 =	simm.s32 $0x80  }
0x2f: {  	[tilespmem:s30], [sflag:$0x2] =	stream.indirect.gather [hbm4b:s5+s26], $0x80, s18, s26, $0xb8;
	[tilespmem:$0x1E480] =	vst v63  }
0x30: {  	_ =	swait.ge [sflag:s31], $0x4000  }
0x31: {  	[sflag:s31] =	ssyncset.done $0x0  }
0x32: {  	[sflag:s31] =	ssyncadd.s32 $0xFFFFC000  }
0x33: {  	_ =	swait.ge [sflag:s0], $0x80  }
0x34: {  	[sflag:s0] =	ssyncset.done $0x0  }
0x35: {  	[sflag:s0] =	ssyncadd.s32 $0xFFFFFF80  }
0x36: {  	[spmem:s2] =	stream.indirect.scatter.add.f32 [tilespmem:s28], [sflag:$0x5], $0x80, s25, s26, $0xb8;
	[tilespmem:$0x1E480] =	vst v63  }
0x37: {  	_ =	swait.ge [sflag:s23], $0x4000  }
0x38: {  	s19 =	sshrl.u32 s20, $0x3;
	[sflag:s23] =	ssyncset.done $0x0  }
0x39: {  	s14 =	sadd.s32 s9, s19;
	[sflag:s23] =	ssyncadd.s32 $0xFFFFC000  }
0x3a: {  	[tilespmem:s25], [sflag:$0x3] =	stream.linear.gather [hbm4b:s14+s4], $0x80, $0x38;
	[tilespmem:$0x1E480] =	vst v63  }
0x3b: {  	s15 =	simm.s32 $0x100  }
0x3c: {  	[tilespmem:s28], [sflag:$0x1] =	stream.indirect.gather [hbm4b:s5+s26], $0x80, s15, s26, $0xb8;
	[tilespmem:$0x1E480] =	vst v63  }
0x3d: {  	_ =	swait.ge [sflag:s3], $0x4000  }
0x3e: {  	[sflag:s3] =	ssyncset.done $0x0  }
0x3f: {  	[sflag:s3] =	ssyncadd.s32 $0xFFFFC000  }
0x40: {  	_ =	swait.ge [sflag:s1], $0x80  }
0x41: {  	[sflag:s1] =	ssyncset.done $0x0  }
0x42: {  	[sflag:s1] =	ssyncadd.s32 $0xFFFFFF80  }
0x43: {  	[spmem:s2] =	stream.indirect.scatter.add.f32 [tilespmem:s30], [sflag:$0x5], $0x80, s29, s26, $0xb8;
	[tilespmem:$0x1E480] =	vst v63  }
0x44: {  	s16 =	sadd.s32 $0x100, s20;
	s17 =	simm.s32 $0x20;
	_ =	swait.ge [sflag:s23], $0x4000  }
0x45: {  	s18 =	simm.s32 $0x40;
	s15 =	simm.s32 $0x200;
	[sflag:s23] =	ssyncset.done $0x0  }
.LBB2_2:
0x46: {  	s19 =	sadd.s32 s17, s21  }
0x47: {  	[sflag:s23] =	ssyncadd.s32 $0xFFFFC000;
	s17 =	smov.u32 s18;
	s13 =	sadd.s32 $0x20, s18  }
0x48: {  	[tilespmem:s29], [sflag:$0x4] =	stream.linear.gather [hbm4b:s19+s4], $0x80, $0x38;
	[tilespmem:$0x1E480] =	vst v63  }
0x49: {  	p0 =	sne.s32 s18, $0x4C0;
	s18 =	sadd.s32 $0xFFFFFF80, s15  }
0x4a: {  	[tilespmem:s30], [sflag:$0x2] =	stream.indirect.gather [hbm4b:s5+s26], $0x80, s18, s26, $0xb8;
	[tilespmem:$0x1E480] =	vst v63  }
0x4b: {  	_ =	swait.ge [sflag:s31], $0x4000  }
0x4c: {  	[sflag:s31] =	ssyncset.done $0x0  }
0x4d: {  	[sflag:s31] =	ssyncadd.s32 $0xFFFFC000  }
0x4e: {  	_ =	swait.ge [sflag:s0], $0x80  }
0x4f: {  	[sflag:s0] =	ssyncset.done $0x0  }
0x50: {  	[sflag:s0] =	ssyncadd.s32 $0xFFFFFF80  }
0x51: {  	[spmem:s2] =	stream.indirect.scatter.add.f32 [tilespmem:s28], [sflag:$0x5], $0x80, s25, s26, $0xb8;
	[tilespmem:$0x1E480] =	vst v63  }
0x52: {  	_ =	swait.ge [sflag:s23], $0x4000  }
0x53: {  	s18 =	sshrl.u32 s16, $0x3;
	[sflag:s23] =	ssyncset.done $0x0  }
0x54: {  	s18 =	sadd.s32 s9, s18;
	[sflag:s23] =	ssyncadd.s32 $0xFFFFC000  }
0x55: {  	[tilespmem:s25], [sflag:$0x3] =	stream.linear.gather [hbm4b:s18+s4], $0x80, $0x38;
	[tilespmem:$0x1E480] =	vst v63  }
0x56: {  	_ = 	snop  }
0x57: {  	[tilespmem:s28], [sflag:$0x1] =	stream.indirect.gather [hbm4b:s5+s26], $0x80, s15, s26, $0xb8;
	[tilespmem:$0x1E480] =	vst v63  }
0x58: {  	_ =	swait.ge [sflag:s3], $0x4000  }
0x59: {  	[sflag:s3] =	ssyncset.done $0x0  }
0x5a: {  	[sflag:s3] =	ssyncadd.s32 $0xFFFFC000  }
0x5b: {  	_ =	swait.ge [sflag:s1], $0x80  }
.Ltmp0:
0x5c: {  	[sflag:s1] =	ssyncset.done $0x0;
	(pc) =	sbr.rel @p0 .LBB2_2-.Ltmp0, $4  }
0x5d: {  	[sflag:s1] =	ssyncadd.s32 $0xFFFFFF80  }
0x5e: {  	[spmem:s2] =	stream.indirect.scatter.add.f32 [tilespmem:s30], [sflag:$0x5], $0x80, s29, s26, $0xb8;
	[tilespmem:$0x1E480] =	vst v63  }
0x5f: {  	s16 =	sadd.s32 $0x100, s16;
	_ =	swait.ge [sflag:s23], $0x4000  }
0x60: {  	s18 =	smov.u32 s13;
	s15 =	sadd.s32 $0x100, s15;
	[sflag:s23] =	ssyncset.done $0x0  }
0x61: {  	s13 =	sadd.s32 s17, s21;
	[sflag:s23] =	ssyncadd.s32 $0xFFFFC000  }
0x62: {  	[tilespmem:s29], [sflag:$0x4] =	stream.linear.gather [hbm4b:s13+s4], $0x80, $0x38;
	[tilespmem:$0x1E480] =	vst v63  }
0x63: {  	s19 =	sadd.s32 $0xFFFFFF80, s15  }
0x64: {  	[tilespmem:s30], [sflag:$0x2] =	stream.indirect.gather [hbm4b:s5+s26], $0x80, s19, s26, $0xb8;
	[tilespmem:$0x1E480] =	vst v63  }
0x65: {  	_ =	swait.ge [sflag:s31], $0x4000  }
0x66: {  	[sflag:s31] =	ssyncset.done $0x0  }
0x67: {  	[sflag:s31] =	ssyncadd.s32 $0xFFFFC000  }
0x68: {  	_ =	swait.ge [sflag:s0], $0x80  }
0x69: {  	[sflag:s0] =	ssyncset.done $0x0  }
0x6a: {  	[sflag:s0] =	ssyncadd.s32 $0xFFFFFF80  }
0x6b: {  	[spmem:s2] =	stream.indirect.scatter.add.f32 [tilespmem:s28], [sflag:$0x5], $0x80, s25, s26, $0xb8;
	[tilespmem:$0x1E480] =	vst v63  }
0x6c: {  	_ =	swait.ge [sflag:s23], $0x4000  }
0x6d: {  	s17 =	sshrl.u32 s16, $0x3;
	[sflag:s23] =	ssyncset.done $0x0  }
0x6e: {  	s13 =	sadd.s32 s9, s17;
	[sflag:s23] =	ssyncadd.s32 $0xFFFFC000  }
0x6f: {  	[tilespmem:s25], [sflag:$0x3] =	stream.linear.gather [hbm4b:s13+s4], $0x80, $0x38;
	[tilespmem:$0x1E480] =	vst v63  }
0x70: {  	_ = 	snop  }
0x71: {  	[tilespmem:s28], [sflag:$0x1] =	stream.indirect.gather [hbm4b:s5+s26], $0x80, s15, s26, $0xb8;
	[tilespmem:$0x1E480] =	vst v63  }
0x72: {  	_ =	swait.ge [sflag:s3], $0x4000  }
0x73: {  	[sflag:s3] =	ssyncset.done $0x0  }
0x74: {  	[sflag:s3] =	ssyncadd.s32 $0xFFFFC000  }
0x75: {  	_ =	swait.ge [sflag:s1], $0x80  }
0x76: {  	[sflag:s1] =	ssyncset.done $0x0  }
0x77: {  	[sflag:s1] =	ssyncadd.s32 $0xFFFFFF80  }
0x78: {  	[spmem:s2] =	stream.indirect.scatter.add.f32 [tilespmem:s30], [sflag:$0x5], $0x80, s29, s26, $0xb8;
	[tilespmem:$0x1E480] =	vst v63  }
0x79: {  	_ =	swait.ge [sflag:s23], $0x4000  }
0x7a: {  	[sflag:s23] =	ssyncset.done $0x0  }
0x7b: {  	[sflag:s23] =	ssyncadd.s32 $0xFFFFC000  }
0x7c: {  	_ =	swait.ge [sflag:s31], $0x4000  }
0x7d: {  	[sflag:s31] =	ssyncset.done $0x0  }
0x7e: {  	[sflag:s31] =	ssyncadd.s32 $0xFFFFC000  }
0x7f: {  	_ =	swait.ge [sflag:s0], $0x80  }
0x80: {  	[sflag:s0] =	ssyncset.done $0x0  }
0x81: {  	[sflag:s0] =	ssyncadd.s32 $0xFFFFFF80  }
0x82: {  	[spmem:s2] =	stream.indirect.scatter.add.f32 [tilespmem:s28], [sflag:$0x5], $0x80, s25, s26, $0xb8;
	[tilespmem:$0x1E480] =	vst v63  }
0x83: {  	_ =	swait.ge [sflag:s23], $0x4000  }
0x84: {  	[sflag:s23] =	ssyncset.done $0x0  }
0x85: {  	[sflag:s23] =	ssyncadd.s32 $0xFFFFC000  }
0x86: {  	[bflag:$0x0] =	sbarrier.arrive $0xFFFF  }
0x87: {  	s18 =	rddreg [dreg:$0x9]  }
0x88: {  	[hbm:s18], [sflag:s24] =	dma.local [spmem:s11], $0x2780  }
0x89: {  	_ =	swait.ge [sflag:s23], $0x2780  }
0x8a: {  	[sflag:s23] =	ssyncset.done $0x0  }
0x8b: {  	[sflag:s23] =	ssyncadd.s32 $0xFFFFD880  }
0x8c: {  	[spmem:s11], [sflag:s24] =	dma.local [hbm:s12], $0x2780  }
0x8d: {  	_ =	swait.ge [sflag:s23], $0x2780  }
0x8e: {  	[sflag:s23] =	ssyncset.done $0x0  }
0x8f: {  	[sflag:s23] =	ssyncadd.s32 $0xFFFFD880  }
0x90: {  	[bflag:$0x0] =	sbarrier.arrive $0xFFFF  }
0x91: {  	s19 =	simm.s32 $0x0;
	s16 =	rddreg [dreg:$0x7]  }
0x92: {  	[tilespmem:s25], [sflag:$0x3] =	stream.linear.gather [hbm4b:s16+s19], $0x80, $0x38;
	[tilespmem:$0x1E480] =	vst v63  }
0x93: {  	_ = 	snop  }
0x94: {  	[tilespmem:s28], [sflag:$0x1] =	stream.indirect.gather [hbm4b:s6+s26], $0x80, s19, s26, $0xb8;
	[tilespmem:$0x1E480] =	vst v63  }
0x95: {  	s17 =	sadd.s32 $0x0, s21  }
0x96: {  	[tilespmem:s29], [sflag:$0x4] =	stream.linear.gather [hbm4b:s17+s4], $0x80, $0x38;
	[tilespmem:$0x1E480] =	vst v63  }
0x97: {  	s18 =	simm.s32 $0x80  }
0x98: {  	[tilespmem:s30], [sflag:$0x2] =	stream.indirect.gather [hbm4b:s6+s26], $0x80, s18, s26, $0xb8;
	[tilespmem:$0x1E480] =	vst v63  }
0x99: {  	_ =	swait.ge [sflag:s31], $0x4000  }
0x9a: {  	[sflag:s31] =	ssyncset.done $0x0  }
0x9b: {  	[sflag:s31] =	ssyncadd.s32 $0xFFFFC000  }
0x9c: {  	_ =	swait.ge [sflag:s0], $0x80  }
0x9d: {  	[sflag:s0] =	ssyncset.done $0x0  }
0x9e: {  	[sflag:s0] =	ssyncadd.s32 $0xFFFFFF80  }
0x9f: {  	[spmem:s2] =	stream.indirect.scatter.add.f32 [tilespmem:s28], [sflag:$0x5], $0x80, s25, s26, $0xb8;
	[tilespmem:$0x1E480] =	vst v63  }
0xa0: {  	_ =	swait.ge [sflag:s23], $0x4000  }
0xa1: {  	[sflag:s23] =	ssyncset.done $0x0  }
0xa2: {  	[sflag:s23] =	ssyncadd.s32 $0xFFFFC000  }
0xa3: {  	[tilespmem:s25], [sflag:$0x3] =	stream.linear.gather [hbm4b:s14+s4], $0x80, $0x38;
	[tilespmem:$0x1E480] =	vst v63  }
0xa4: {  	s19 =	simm.s32 $0x100  }
0xa5: {  	[tilespmem:s28], [sflag:$0x1] =	stream.indirect.gather [hbm4b:s6+s26], $0x80, s19, s26, $0xb8;
	[tilespmem:$0x1E480] =	vst v63  }
0xa6: {  	_ =	swait.ge [sflag:s3], $0x4000  }
0xa7: {  	[sflag:s3] =	ssyncset.done $0x0  }
0xa8: {  	[sflag:s3] =	ssyncadd.s32 $0xFFFFC000  }
0xa9: {  	_ =	swait.ge [sflag:s1], $0x80  }
0xaa: {  	[sflag:s1] =	ssyncset.done $0x0  }
0xab: {  	[sflag:s1] =	ssyncadd.s32 $0xFFFFFF80  }
0xac: {  	[spmem:s2] =	stream.indirect.scatter.add.f32 [tilespmem:s30], [sflag:$0x5], $0x80, s29, s26, $0xb8;
	[tilespmem:$0x1E480] =	vst v63  }
0xad: {  	s15 =	simm.s32 $0x200;
	s16 =	sadd.s32 $0x100, s20;
	_ =	swait.ge [sflag:s23], $0x4000  }
0xae: {  	s17 =	simm.s32 $0x20;
	s18 =	simm.s32 $0x40;
	[sflag:s23] =	ssyncset.done $0x0  }
.LBB2_4:
0xaf: {  	s13 =	sadd.s32 s17, s21  }
0xb0: {  	[sflag:s23] =	ssyncadd.s32 $0xFFFFC000;
	s17 =	smov.u32 s18;
	s19 =	sadd.s32 $0x20, s18  }
0xb1: {  	[tilespmem:s29], [sflag:$0x4] =	stream.linear.gather [hbm4b:s13+s4], $0x80, $0x38;
	[tilespmem:$0x1E480] =	vst v63  }
0xb2: {  	p0 =	sne.s32 s18, $0x4C0;
	s13 =	sadd.s32 $0xFFFFFF80, s15  }
0xb3: {  	[tilespmem:s30], [sflag:$0x2] =	stream.indirect.gather [hbm4b:s6+s26], $0x80, s13, s26, $0xb8;
	[tilespmem:$0x1E480] =	vst v63  }
0xb4: {  	_ =	swait.ge [sflag:s31], $0x4000  }
0xb5: {  	[sflag:s31] =	ssyncset.done $0x0  }
0xb6: {  	[sflag:s31] =	ssyncadd.s32 $0xFFFFC000  }
0xb7: {  	_ =	swait.ge [sflag:s0], $0x80  }
0xb8: {  	[sflag:s0] =	ssyncset.done $0x0  }
0xb9: {  	[sflag:s0] =	ssyncadd.s32 $0xFFFFFF80  }
0xba: {  	[spmem:s2] =	stream.indirect.scatter.add.f32 [tilespmem:s28], [sflag:$0x5], $0x80, s25, s26, $0xb8;
	[tilespmem:$0x1E480] =	vst v63  }
0xbb: {  	_ =	swait.ge [sflag:s23], $0x4000  }
0xbc: {  	s13 =	sshrl.u32 s16, $0x3;
	[sflag:s23] =	ssyncset.done $0x0  }
0xbd: {  	s13 =	sadd.s32 s9, s13;
	[sflag:s23] =	ssyncadd.s32 $0xFFFFC000  }
0xbe: {  	[tilespmem:s25], [sflag:$0x3] =	stream.linear.gather [hbm4b:s13+s4], $0x80, $0x38;
	[tilespmem:$0x1E480] =	vst v63  }
0xbf: {  	_ = 	snop  }
0xc0: {  	[tilespmem:s28], [sflag:$0x1] =	stream.indirect.gather [hbm4b:s6+s26], $0x80, s15, s26, $0xb8;
	[tilespmem:$0x1E480] =	vst v63  }
0xc1: {  	_ =	swait.ge [sflag:s3], $0x4000  }
0xc2: {  	[sflag:s3] =	ssyncset.done $0x0  }
0xc3: {  	[sflag:s3] =	ssyncadd.s32 $0xFFFFC000  }
0xc4: {  	_ =	swait.ge [sflag:s1], $0x80  }
.Ltmp1:
0xc5: {  	[sflag:s1] =	ssyncset.done $0x0;
	(pc) =	sbr.rel @p0 .LBB2_4-.Ltmp1, $4  }
0xc6: {  	[sflag:s1] =	ssyncadd.s32 $0xFFFFFF80  }
0xc7: {  	[spmem:s2] =	stream.indirect.scatter.add.f32 [tilespmem:s30], [sflag:$0x5], $0x80, s29, s26, $0xb8;
	[tilespmem:$0x1E480] =	vst v63  }
0xc8: {  	s18 =	smov.u32 s19;
	_ =	swait.ge [sflag:s23], $0x4000  }
0xc9: {  	s16 =	sadd.s32 $0x100, s16;
	s15 =	sadd.s32 $0x100, s15;
	[sflag:s23] =	ssyncset.done $0x0  }
0xca: {  	s13 =	sadd.s32 s17, s21;
	[sflag:s23] =	ssyncadd.s32 $0xFFFFC000  }
0xcb: {  	[tilespmem:s29], [sflag:$0x4] =	stream.linear.gather [hbm4b:s13+s4], $0x80, $0x38;
	[tilespmem:$0x1E480] =	vst v63  }
0xcc: {  	s19 =	sadd.s32 $0xFFFFFF80, s15  }
0xcd: {  	[tilespmem:s30], [sflag:$0x2] =	stream.indirect.gather [hbm4b:s6+s26], $0x80, s19, s26, $0xb8;
	[tilespmem:$0x1E480] =	vst v63  }
0xce: {  	_ =	swait.ge [sflag:s31], $0x4000  }
0xcf: {  	[sflag:s31] =	ssyncset.done $0x0  }
0xd0: {  	[sflag:s31] =	ssyncadd.s32 $0xFFFFC000  }
0xd1: {  	_ =	swait.ge [sflag:s0], $0x80  }
0xd2: {  	[sflag:s0] =	ssyncset.done $0x0  }
0xd3: {  	[sflag:s0] =	ssyncadd.s32 $0xFFFFFF80  }
0xd4: {  	[spmem:s2] =	stream.indirect.scatter.add.f32 [tilespmem:s28], [sflag:$0x5], $0x80, s25, s26, $0xb8;
	[tilespmem:$0x1E480] =	vst v63  }
0xd5: {  	_ =	swait.ge [sflag:s23], $0x4000  }
0xd6: {  	s17 =	sshrl.u32 s16, $0x3;
	[sflag:s23] =	ssyncset.done $0x0  }
0xd7: {  	s13 =	sadd.s32 s9, s17;
	[sflag:s23] =	ssyncadd.s32 $0xFFFFC000  }
0xd8: {  	[tilespmem:s25], [sflag:$0x3] =	stream.linear.gather [hbm4b:s13+s4], $0x80, $0x38;
	[tilespmem:$0x1E480] =	vst v63  }
0xd9: {  	_ = 	snop  }
0xda: {  	[tilespmem:s28], [sflag:$0x1] =	stream.indirect.gather [hbm4b:s6+s26], $0x80, s15, s26, $0xb8;
	[tilespmem:$0x1E480] =	vst v63  }
0xdb: {  	_ =	swait.ge [sflag:s3], $0x4000  }
0xdc: {  	[sflag:s3] =	ssyncset.done $0x0  }
0xdd: {  	[sflag:s3] =	ssyncadd.s32 $0xFFFFC000  }
0xde: {  	_ =	swait.ge [sflag:s1], $0x80  }
0xdf: {  	[sflag:s1] =	ssyncset.done $0x0  }
0xe0: {  	[sflag:s1] =	ssyncadd.s32 $0xFFFFFF80  }
0xe1: {  	[spmem:s2] =	stream.indirect.scatter.add.f32 [tilespmem:s30], [sflag:$0x5], $0x80, s29, s26, $0xb8;
	[tilespmem:$0x1E480] =	vst v63  }
0xe2: {  	_ =	swait.ge [sflag:s23], $0x4000  }
0xe3: {  	[sflag:s23] =	ssyncset.done $0x0  }
0xe4: {  	[sflag:s23] =	ssyncadd.s32 $0xFFFFC000  }
0xe5: {  	_ =	swait.ge [sflag:s31], $0x4000  }
0xe6: {  	[sflag:s31] =	ssyncset.done $0x0  }
0xe7: {  	[sflag:s31] =	ssyncadd.s32 $0xFFFFC000  }
0xe8: {  	_ =	swait.ge [sflag:s0], $0x80  }
0xe9: {  	[sflag:s0] =	ssyncset.done $0x0  }
0xea: {  	[sflag:s0] =	ssyncadd.s32 $0xFFFFFF80  }
0xeb: {  	[spmem:s2] =	stream.indirect.scatter.add.f32 [tilespmem:s28], [sflag:$0x5], $0x80, s25, s26, $0xb8;
	[tilespmem:$0x1E480] =	vst v63  }
0xec: {  	_ =	swait.ge [sflag:s23], $0x4000  }
0xed: {  	[sflag:s23] =	ssyncset.done $0x0  }
0xee: {  	[sflag:s23] =	ssyncadd.s32 $0xFFFFC000  }
0xef: {  	[bflag:$0x0] =	sbarrier.arrive $0xFFFF  }
0xf0: {  	s18 =	rddreg [dreg:$0xa]  }
0xf1: {  	[hbm:s18], [sflag:s24] =	dma.local [spmem:s11], $0x2780  }
0xf2: {  	_ =	swait.ge [sflag:s23], $0x2780  }
0xf3: {  	[sflag:s23] =	ssyncset.done $0x0  }
0xf4: {  	[sflag:s23] =	ssyncadd.s32 $0xFFFFD880  }
0xf5: {  	[spmem:s11], [sflag:s24] =	dma.local [hbm:s12], $0x2780  }
0xf6: {  	_ =	swait.ge [sflag:s23], $0x2780  }
0xf7: {  	[sflag:s23] =	ssyncset.done $0x0  }
0xf8: {  	[sflag:s23] =	ssyncadd.s32 $0xFFFFD880  }
0xf9: {  	[bflag:$0x0] =	sbarrier.arrive $0xFFFF  }
0xfa: {  	s19 =	simm.s32 $0x0;
	s16 =	rddreg [dreg:$0x7]  }
0xfb: {  	[tilespmem:s25], [sflag:$0x3] =	stream.linear.gather [hbm4b:s16+s19], $0x80, $0x38;
	[tilespmem:$0x1E480] =	vst v63  }
0xfc: {  	_ = 	snop  }
0xfd: {  	[tilespmem:s28], [sflag:$0x1] =	stream.indirect.gather [hbm4b:s7+s26], $0x80, s19, s26, $0xb8;
	[tilespmem:$0x1E480] =	vst v63  }
0xfe: {  	s17 =	sadd.s32 $0x0, s21  }
0xff: {  	[tilespmem:s29], [sflag:$0x4] =	stream.linear.gather [hbm4b:s17+s4], $0x80, $0x38;
	[tilespmem:$0x1E480] =	vst v63  }
0x100: {  	s18 =	simm.s32 $0x80  }
0x101: {  	[tilespmem:s30], [sflag:$0x2] =	stream.indirect.gather [hbm4b:s7+s26], $0x80, s18, s26, $0xb8;
	[tilespmem:$0x1E480] =	vst v63  }
0x102: {  	_ =	swait.ge [sflag:s31], $0x4000  }
0x103: {  	[sflag:s31] =	ssyncset.done $0x0  }
0x104: {  	[sflag:s31] =	ssyncadd.s32 $0xFFFFC000  }
0x105: {  	_ =	swait.ge [sflag:s0], $0x80  }
0x106: {  	[sflag:s0] =	ssyncset.done $0x0  }
0x107: {  	[sflag:s0] =	ssyncadd.s32 $0xFFFFFF80  }
0x108: {  	[spmem:s2] =	stream.indirect.scatter.add.f32 [tilespmem:s28], [sflag:$0x5], $0x80, s25, s26, $0xb8;
	[tilespmem:$0x1E480] =	vst v63  }
0x109: {  	_ =	swait.ge [sflag:s23], $0x4000  }
0x10a: {  	[sflag:s23] =	ssyncset.done $0x0  }
0x10b: {  	[sflag:s23] =	ssyncadd.s32 $0xFFFFC000  }
0x10c: {  	[tilespmem:s25], [sflag:$0x3] =	stream.linear.gather [hbm4b:s14+s4], $0x80, $0x38;
	[tilespmem:$0x1E480] =	vst v63  }
0x10d: {  	s19 =	simm.s32 $0x100  }
0x10e: {  	[tilespmem:s28], [sflag:$0x1] =	stream.indirect.gather [hbm4b:s7+s26], $0x80, s19, s26, $0xb8;
	[tilespmem:$0x1E480] =	vst v63  }
0x10f: {  	_ =	swait.ge [sflag:s3], $0x4000  }
0x110: {  	[sflag:s3] =	ssyncset.done $0x0  }
0x111: {  	[sflag:s3] =	ssyncadd.s32 $0xFFFFC000  }
0x112: {  	_ =	swait.ge [sflag:s1], $0x80  }
0x113: {  	[sflag:s1] =	ssyncset.done $0x0  }
0x114: {  	[sflag:s1] =	ssyncadd.s32 $0xFFFFFF80  }
0x115: {  	[spmem:s2] =	stream.indirect.scatter.add.f32 [tilespmem:s30], [sflag:$0x5], $0x80, s29, s26, $0xb8;
	[tilespmem:$0x1E480] =	vst v63  }
0x116: {  	s15 =	simm.s32 $0x200;
	s16 =	sadd.s32 $0x100, s20;
	_ =	swait.ge [sflag:s23], $0x4000  }
0x117: {  	s17 =	simm.s32 $0x20;
	s18 =	simm.s32 $0x40;
	[sflag:s23] =	ssyncset.done $0x0  }
.LBB2_6:
0x118: {  	s13 =	sadd.s32 s17, s21  }
0x119: {  	[sflag:s23] =	ssyncadd.s32 $0xFFFFC000;
	s17 =	smov.u32 s18;
	s19 =	sadd.s32 $0x20, s18  }
0x11a: {  	[tilespmem:s29], [sflag:$0x4] =	stream.linear.gather [hbm4b:s13+s4], $0x80, $0x38;
	[tilespmem:$0x1E480] =	vst v63  }
0x11b: {  	p0 =	sne.s32 s18, $0x4C0;
	s13 =	sadd.s32 $0xFFFFFF80, s15  }
0x11c: {  	[tilespmem:s30], [sflag:$0x2] =	stream.indirect.gather [hbm4b:s7+s26], $0x80, s13, s26, $0xb8;
	[tilespmem:$0x1E480] =	vst v63  }
0x11d: {  	_ =	swait.ge [sflag:s31], $0x4000  }
0x11e: {  	[sflag:s31] =	ssyncset.done $0x0  }
0x11f: {  	[sflag:s31] =	ssyncadd.s32 $0xFFFFC000  }
0x120: {  	_ =	swait.ge [sflag:s0], $0x80  }
0x121: {  	[sflag:s0] =	ssyncset.done $0x0  }
0x122: {  	[sflag:s0] =	ssyncadd.s32 $0xFFFFFF80  }
0x123: {  	[spmem:s2] =	stream.indirect.scatter.add.f32 [tilespmem:s28], [sflag:$0x5], $0x80, s25, s26, $0xb8;
	[tilespmem:$0x1E480] =	vst v63  }
0x124: {  	_ =	swait.ge [sflag:s23], $0x4000  }
0x125: {  	s13 =	sshrl.u32 s16, $0x3;
	[sflag:s23] =	ssyncset.done $0x0  }
0x126: {  	s13 =	sadd.s32 s9, s13;
	[sflag:s23] =	ssyncadd.s32 $0xFFFFC000  }
0x127: {  	[tilespmem:s25], [sflag:$0x3] =	stream.linear.gather [hbm4b:s13+s4], $0x80, $0x38;
	[tilespmem:$0x1E480] =	vst v63  }
0x128: {  	_ = 	snop  }
0x129: {  	[tilespmem:s28], [sflag:$0x1] =	stream.indirect.gather [hbm4b:s7+s26], $0x80, s15, s26, $0xb8;
	[tilespmem:$0x1E480] =	vst v63  }
0x12a: {  	_ =	swait.ge [sflag:s3], $0x4000  }
0x12b: {  	[sflag:s3] =	ssyncset.done $0x0  }
0x12c: {  	[sflag:s3] =	ssyncadd.s32 $0xFFFFC000  }
0x12d: {  	_ =	swait.ge [sflag:s1], $0x80  }
.Ltmp2:
0x12e: {  	[sflag:s1] =	ssyncset.done $0x0;
	(pc) =	sbr.rel @p0 .LBB2_6-.Ltmp2, $4  }
0x12f: {  	[sflag:s1] =	ssyncadd.s32 $0xFFFFFF80  }
0x130: {  	[spmem:s2] =	stream.indirect.scatter.add.f32 [tilespmem:s30], [sflag:$0x5], $0x80, s29, s26, $0xb8;
	[tilespmem:$0x1E480] =	vst v63  }
0x131: {  	s18 =	smov.u32 s19;
	_ =	swait.ge [sflag:s23], $0x4000  }
0x132: {  	s16 =	sadd.s32 $0x100, s16;
	s15 =	sadd.s32 $0x100, s15;
	[sflag:s23] =	ssyncset.done $0x0  }
0x133: {  	s13 =	sadd.s32 s17, s21;
	[sflag:s23] =	ssyncadd.s32 $0xFFFFC000  }
0x134: {  	[tilespmem:s29], [sflag:$0x4] =	stream.linear.gather [hbm4b:s13+s4], $0x80, $0x38;
	[tilespmem:$0x1E480] =	vst v63  }
0x135: {  	s19 =	sadd.s32 $0xFFFFFF80, s15  }
0x136: {  	[tilespmem:s30], [sflag:$0x2] =	stream.indirect.gather [hbm4b:s7+s26], $0x80, s19, s26, $0xb8;
	[tilespmem:$0x1E480] =	vst v63  }
0x137: {  	_ =	swait.ge [sflag:s31], $0x4000  }
0x138: {  	[sflag:s31] =	ssyncset.done $0x0  }
0x139: {  	[sflag:s31] =	ssyncadd.s32 $0xFFFFC000  }
0x13a: {  	_ =	swait.ge [sflag:s0], $0x80  }
0x13b: {  	[sflag:s0] =	ssyncset.done $0x0  }
0x13c: {  	[sflag:s0] =	ssyncadd.s32 $0xFFFFFF80  }
0x13d: {  	[spmem:s2] =	stream.indirect.scatter.add.f32 [tilespmem:s28], [sflag:$0x5], $0x80, s25, s26, $0xb8;
	[tilespmem:$0x1E480] =	vst v63  }
0x13e: {  	_ =	swait.ge [sflag:s23], $0x4000  }
0x13f: {  	s17 =	sshrl.u32 s16, $0x3;
	[sflag:s23] =	ssyncset.done $0x0  }
0x140: {  	s13 =	sadd.s32 s9, s17;
	[sflag:s23] =	ssyncadd.s32 $0xFFFFC000  }
0x141: {  	[tilespmem:s25], [sflag:$0x3] =	stream.linear.gather [hbm4b:s13+s4], $0x80, $0x38;
	[tilespmem:$0x1E480] =	vst v63  }
0x142: {  	_ = 	snop  }
0x143: {  	[tilespmem:s28], [sflag:$0x1] =	stream.indirect.gather [hbm4b:s7+s26], $0x80, s15, s26, $0xb8;
	[tilespmem:$0x1E480] =	vst v63  }
0x144: {  	_ =	swait.ge [sflag:s3], $0x4000  }
0x145: {  	[sflag:s3] =	ssyncset.done $0x0  }
0x146: {  	[sflag:s3] =	ssyncadd.s32 $0xFFFFC000  }
0x147: {  	_ =	swait.ge [sflag:s1], $0x80  }
0x148: {  	[sflag:s1] =	ssyncset.done $0x0  }
0x149: {  	[sflag:s1] =	ssyncadd.s32 $0xFFFFFF80  }
0x14a: {  	[spmem:s2] =	stream.indirect.scatter.add.f32 [tilespmem:s30], [sflag:$0x5], $0x80, s29, s26, $0xb8;
	[tilespmem:$0x1E480] =	vst v63  }
0x14b: {  	_ =	swait.ge [sflag:s23], $0x4000  }
0x14c: {  	[sflag:s23] =	ssyncset.done $0x0  }
0x14d: {  	[sflag:s23] =	ssyncadd.s32 $0xFFFFC000  }
0x14e: {  	_ =	swait.ge [sflag:s31], $0x4000  }
0x14f: {  	[sflag:s31] =	ssyncset.done $0x0  }
0x150: {  	[sflag:s31] =	ssyncadd.s32 $0xFFFFC000  }
0x151: {  	_ =	swait.ge [sflag:s0], $0x80  }
0x152: {  	[sflag:s0] =	ssyncset.done $0x0  }
0x153: {  	[sflag:s0] =	ssyncadd.s32 $0xFFFFFF80  }
0x154: {  	[spmem:s2] =	stream.indirect.scatter.add.f32 [tilespmem:s28], [sflag:$0x5], $0x80, s25, s26, $0xb8;
	[tilespmem:$0x1E480] =	vst v63  }
0x155: {  	_ =	swait.ge [sflag:s23], $0x4000  }
0x156: {  	[sflag:s23] =	ssyncset.done $0x0  }
0x157: {  	[sflag:s23] =	ssyncadd.s32 $0xFFFFC000  }
0x158: {  	[bflag:$0x0] =	sbarrier.arrive $0xFFFF  }
0x159: {  	s18 =	rddreg [dreg:$0xb]  }
0x15a: {  	[hbm:s18], [sflag:s24] =	dma.local [spmem:s11], $0x2780  }
0x15b: {  	_ =	swait.ge [sflag:s23], $0x2780  }
0x15c: {  	[sflag:s23] =	ssyncset.done $0x0  }
0x15d: {  	[sflag:s23] =	ssyncadd.s32 $0xFFFFD880  }
0x15e: {  	[spmem:s11], [sflag:s24] =	dma.local [hbm:s12], $0x2780  }
0x15f: {  	_ =	swait.ge [sflag:s23], $0x2780  }
0x160: {  	[sflag:s23] =	ssyncset.done $0x0  }
0x161: {  	[sflag:s23] =	ssyncadd.s32 $0xFFFFD880  }
0x162: {  	[bflag:$0x0] =	sbarrier.arrive $0xFFFF  }
0x163: {  	s19 =	simm.s32 $0x0;
	s16 =	rddreg [dreg:$0x7]  }
0x164: {  	[tilespmem:s25], [sflag:$0x3] =	stream.linear.gather [hbm4b:s16+s19], $0x80, $0x38;
	[tilespmem:$0x1E480] =	vst v63  }
0x165: {  	_ = 	snop  }
0x166: {  	[tilespmem:s28], [sflag:$0x1] =	stream.indirect.gather [hbm4b:s8+s26], $0x80, s19, s26, $0xb8;
	[tilespmem:$0x1E480] =	vst v63  }
0x167: {  	s17 =	sadd.s32 $0x0, s21  }
0x168: {  	[tilespmem:s29], [sflag:$0x4] =	stream.linear.gather [hbm4b:s17+s4], $0x80, $0x38;
	[tilespmem:$0x1E480] =	vst v63  }
0x169: {  	s18 =	simm.s32 $0x80  }
0x16a: {  	[tilespmem:s30], [sflag:$0x2] =	stream.indirect.gather [hbm4b:s8+s26], $0x80, s18, s26, $0xb8;
	[tilespmem:$0x1E480] =	vst v63  }
0x16b: {  	_ =	swait.ge [sflag:s31], $0x4000  }
0x16c: {  	[sflag:s31] =	ssyncset.done $0x0  }
0x16d: {  	[sflag:s31] =	ssyncadd.s32 $0xFFFFC000  }
0x16e: {  	_ =	swait.ge [sflag:s0], $0x80  }
0x16f: {  	[sflag:s0] =	ssyncset.done $0x0  }
0x170: {  	[sflag:s0] =	ssyncadd.s32 $0xFFFFFF80  }
0x171: {  	[spmem:s2] =	stream.indirect.scatter.add.f32 [tilespmem:s28], [sflag:$0x5], $0x80, s25, s26, $0xb8;
	[tilespmem:$0x1E480] =	vst v63  }
0x172: {  	_ =	swait.ge [sflag:s23], $0x4000  }
0x173: {  	[sflag:s23] =	ssyncset.done $0x0  }
0x174: {  	[sflag:s23] =	ssyncadd.s32 $0xFFFFC000  }
0x175: {  	[tilespmem:s25], [sflag:$0x3] =	stream.linear.gather [hbm4b:s14+s4], $0x80, $0x38;
	[tilespmem:$0x1E480] =	vst v63  }
0x176: {  	s19 =	simm.s32 $0x100  }
0x177: {  	[tilespmem:s28], [sflag:$0x1] =	stream.indirect.gather [hbm4b:s8+s26], $0x80, s19, s26, $0xb8;
	[tilespmem:$0x1E480] =	vst v63  }
0x178: {  	_ =	swait.ge [sflag:s3], $0x4000  }
0x179: {  	[sflag:s3] =	ssyncset.done $0x0  }
0x17a: {  	[sflag:s3] =	ssyncadd.s32 $0xFFFFC000  }
0x17b: {  	_ =	swait.ge [sflag:s1], $0x80  }
0x17c: {  	[sflag:s1] =	ssyncset.done $0x0  }
0x17d: {  	[sflag:s1] =	ssyncadd.s32 $0xFFFFFF80  }
0x17e: {  	[spmem:s2] =	stream.indirect.scatter.add.f32 [tilespmem:s30], [sflag:$0x5], $0x80, s29, s26, $0xb8;
	[tilespmem:$0x1E480] =	vst v63  }
0x17f: {  	s15 =	sadd.s32 $0x100, s20;
	s16 =	simm.s32 $0x20;
	_ =	swait.ge [sflag:s23], $0x4000  }
0x180: {  	s17 =	simm.s32 $0x40;
	s14 =	simm.s32 $0x200;
	[sflag:s23] =	ssyncset.done $0x0  }
.LBB2_8:
0x181: {  	s13 =	sadd.s32 s16, s21  }
0x182: {  	[sflag:s23] =	ssyncadd.s32 $0xFFFFC000;
	s16 =	smov.u32 s17;
	s18 =	sadd.s32 $0x20, s17  }
0x183: {  	[tilespmem:s29], [sflag:$0x4] =	stream.linear.gather [hbm4b:s13+s4], $0x80, $0x38;
	[tilespmem:$0x1E480] =	vst v63  }
0x184: {  	p0 =	sne.s32 s17, $0x4C0;
	s13 =	sadd.s32 $0xFFFFFF80, s14  }
0x185: {  	[tilespmem:s30], [sflag:$0x2] =	stream.indirect.gather [hbm4b:s8+s26], $0x80, s13, s26, $0xb8;
	[tilespmem:$0x1E480] =	vst v63  }
0x186: {  	_ =	swait.ge [sflag:s31], $0x4000  }
0x187: {  	[sflag:s31] =	ssyncset.done $0x0  }
0x188: {  	[sflag:s31] =	ssyncadd.s32 $0xFFFFC000  }
0x189: {  	_ =	swait.ge [sflag:s0], $0x80  }
0x18a: {  	[sflag:s0] =	ssyncset.done $0x0  }
0x18b: {  	[sflag:s0] =	ssyncadd.s32 $0xFFFFFF80  }
0x18c: {  	[spmem:s2] =	stream.indirect.scatter.add.f32 [tilespmem:s28], [sflag:$0x5], $0x80, s25, s26, $0xb8;
	[tilespmem:$0x1E480] =	vst v63  }
0x18d: {  	_ =	swait.ge [sflag:s23], $0x4000  }
0x18e: {  	s13 =	sshrl.u32 s15, $0x3;
	[sflag:s23] =	ssyncset.done $0x0  }
0x18f: {  	s13 =	sadd.s32 s9, s13;
	[sflag:s23] =	ssyncadd.s32 $0xFFFFC000  }
0x190: {  	[tilespmem:s25], [sflag:$0x3] =	stream.linear.gather [hbm4b:s13+s4], $0x80, $0x38;
	[tilespmem:$0x1E480] =	vst v63  }
0x191: {  	_ = 	snop  }
0x192: {  	[tilespmem:s28], [sflag:$0x1] =	stream.indirect.gather [hbm4b:s8+s26], $0x80, s14, s26, $0xb8;
	[tilespmem:$0x1E480] =	vst v63  }
0x193: {  	_ =	swait.ge [sflag:s3], $0x4000  }
0x194: {  	[sflag:s3] =	ssyncset.done $0x0  }
0x195: {  	[sflag:s3] =	ssyncadd.s32 $0xFFFFC000  }
0x196: {  	_ =	swait.ge [sflag:s1], $0x80  }
.Ltmp3:
0x197: {  	[sflag:s1] =	ssyncset.done $0x0;
	(pc) =	sbr.rel @p0 .LBB2_8-.Ltmp3, $4  }
0x198: {  	[sflag:s1] =	ssyncadd.s32 $0xFFFFFF80  }
0x199: {  	[spmem:s2] =	stream.indirect.scatter.add.f32 [tilespmem:s30], [sflag:$0x5], $0x80, s29, s26, $0xb8;
	[tilespmem:$0x1E480] =	vst v63  }
0x19a: {  	s17 =	smov.u32 s18;
	_ =	swait.ge [sflag:s23], $0x4000  }
0x19b: {  	s15 =	sadd.s32 $0x100, s15;
	s14 =	sadd.s32 $0x100, s14;
	[sflag:s23] =	ssyncset.done $0x0  }
0x19c: {  	s13 =	sadd.s32 s16, s21;
	[sflag:s23] =	ssyncadd.s32 $0xFFFFC000  }
0x19d: {  	[tilespmem:s29], [sflag:$0x4] =	stream.linear.gather [hbm4b:s13+s4], $0x80, $0x38;
	[tilespmem:$0x1E480] =	vst v63  }
0x19e: {  	s19 =	sadd.s32 $0xFFFFFF80, s14  }
0x19f: {  	[tilespmem:s30], [sflag:$0x2] =	stream.indirect.gather [hbm4b:s8+s26], $0x80, s19, s26, $0xb8;
	[tilespmem:$0x1E480] =	vst v63  }
0x1a0: {  	_ =	swait.ge [sflag:s31], $0x4000  }
0x1a1: {  	[sflag:s31] =	ssyncset.done $0x0  }
0x1a2: {  	[sflag:s31] =	ssyncadd.s32 $0xFFFFC000  }
0x1a3: {  	_ =	swait.ge [sflag:s0], $0x80  }
0x1a4: {  	[sflag:s0] =	ssyncset.done $0x0  }
0x1a5: {  	[sflag:s0] =	ssyncadd.s32 $0xFFFFFF80  }
0x1a6: {  	[spmem:s2] =	stream.indirect.scatter.add.f32 [tilespmem:s28], [sflag:$0x5], $0x80, s25, s26, $0xb8;
	[tilespmem:$0x1E480] =	vst v63  }
0x1a7: {  	_ =	swait.ge [sflag:s23], $0x4000  }
0x1a8: {  	s15 =	sshrl.u32 s15, $0x3;
	[sflag:s23] =	ssyncset.done $0x0  }
0x1a9: {  	s13 =	sadd.s32 s9, s15;
	[sflag:s23] =	ssyncadd.s32 $0xFFFFC000  }
0x1aa: {  	[tilespmem:s25], [sflag:$0x3] =	stream.linear.gather [hbm4b:s13+s4], $0x80, $0x38;
	[tilespmem:$0x1E480] =	vst v63  }
0x1ab: {  	_ = 	snop  }
0x1ac: {  	[tilespmem:s28], [sflag:$0x1] =	stream.indirect.gather [hbm4b:s8+s26], $0x80, s14, s26, $0xb8;
	[tilespmem:$0x1E480] =	vst v63  }
0x1ad: {  	_ =	swait.ge [sflag:s3], $0x4000  }
0x1ae: {  	[sflag:s3] =	ssyncset.done $0x0  }
0x1af: {  	[sflag:s3] =	ssyncadd.s32 $0xFFFFC000  }
0x1b0: {  	_ =	swait.ge [sflag:s1], $0x80  }
0x1b1: {  	[sflag:s1] =	ssyncset.done $0x0  }
0x1b2: {  	[sflag:s1] =	ssyncadd.s32 $0xFFFFFF80  }
0x1b3: {  	[spmem:s2] =	stream.indirect.scatter.add.f32 [tilespmem:s30], [sflag:$0x5], $0x80, s29, s26, $0xb8;
	[tilespmem:$0x1E480] =	vst v63  }
0x1b4: {  	_ =	swait.ge [sflag:s23], $0x4000  }
0x1b5: {  	[sflag:s23] =	ssyncset.done $0x0  }
0x1b6: {  	[sflag:s23] =	ssyncadd.s32 $0xFFFFC000  }
0x1b7: {  	_ =	swait.ge [sflag:s31], $0x4000  }
0x1b8: {  	[sflag:s31] =	ssyncset.done $0x0  }
0x1b9: {  	[sflag:s31] =	ssyncadd.s32 $0xFFFFC000  }
0x1ba: {  	_ =	swait.ge [sflag:s0], $0x80  }
0x1bb: {  	[sflag:s0] =	ssyncset.done $0x0  }
0x1bc: {  	[sflag:s0] =	ssyncadd.s32 $0xFFFFFF80  }
0x1bd: {  	[spmem:s2] =	stream.indirect.scatter.add.f32 [tilespmem:s28], [sflag:$0x5], $0x80, s25, s26, $0xb8;
	[tilespmem:$0x1E480] =	vst v63  }
0x1be: {  	_ =	swait.ge [sflag:s23], $0x4000  }
0x1bf: {  	[sflag:s23] =	ssyncset.done $0x0  }
0x1c0: {  	[sflag:s23] =	ssyncadd.s32 $0xFFFFC000  }
0x1c1: {  	[bflag:$0x0] =	sbarrier.arrive $0xFFFF  }
0x1c2: {  	s16 =	rddreg [dreg:$0xc]  }
0x1c3: {  	[hbm:s16], [sflag:s24] =	dma.local [spmem:s11], $0x2780  }
0x1c4: {  	_ =	swait.ge [sflag:s23], $0x2780  }
0x1c5: {  	[sflag:s23] =	ssyncset.done $0x0  }
0x1c6: {  	[sflag:s23] =	ssyncadd.s32 $0xFFFFD880  }
0x1c7: {  	[spmem:s11], [sflag:s24] =	dma.local [hbm:s12], $0x2780  }
0x1c8: {  	_ =	swait.ge [sflag:s23], $0x2780  }
0x1c9: {  	[sflag:s23] =	ssyncset.done $0x0  }
0x1ca: {  	[sflag:s23] =	ssyncadd.s32 $0xFFFFD880  }
0x1cb: {  	[bflag:$0x0] =	sbarrier.arrive $0xFFFF  }
0x1cc: {  	s17 =	simm.s32 $0x0;
	s18 =	rddreg [dreg:$0x2]  }
0x1cd: {  	[tilespmem:s28], [sflag:$0x5] =	stream.linear.gather [hbm4b:s18+s17], $0x4000, $0x38;
	[tilespmem:$0x1E480] =	vst v63  }
0x1ce: {  	_ =	swait.ge [sflag:s23], $0x4000  }
0x1cf: {  	[sflag:s23] =	ssyncset.done $0x0  }
0x1d0: {  	s19 =	sadd.s32 $0x0, s22;
	[sflag:s23] =	ssyncadd.s32 $0xFFFFC000  }
0x1d1: {  	[tilespmem:s25], [sflag:$0x5] =	stream.linear.gather [hbm4b:s19+s4], $0x80, $0x38;
	[tilespmem:$0x1E480] =	vst v63  }
0x1d2: {  	_ =	swait.ge [sflag:s23], $0x80  }
0x1d3: {  	[sflag:s23] =	ssyncset.done $0x0  }
0x1d4: {  	[sflag:s23] =	ssyncadd.s32 $0xFFFFFF80  }
0x1d5: {  	[spmem:s2] =	stream.indirect.scatter.add.f32 [tilespmem:s28], [sflag:$0x5], $0x80, s25, s26, $0xb8;
	[tilespmem:$0x1E480] =	vst v63  }
0x1d6: {  	_ =	swait.ge [sflag:s23], $0x4000  }
0x1d7: {  	s15 =	simm.s32 $0x20;
	s14 =	simm.s32 $0x10;
	[sflag:s23] =	ssyncset.done $0x0  }
.LBB2_10:
0x1d8: {  	s13 =	sadd.s32 s14, s22  }
0x1d9: {  	[sflag:s23] =	ssyncadd.s32 $0xFFFFC000;
	s14 =	smov.u32 s15;
	s16 =	sadd.s32 $0x10, s15  }
0x1da: {  	[tilespmem:s25], [sflag:$0x5] =	stream.linear.gather [hbm4b:s13+s4], $0x80, $0x38;
	[tilespmem:$0x1E480] =	vst v63  }
0x1db: {  	p0 =	sne.s32 s15, $0x4E0;
	_ =	swait.ge [sflag:s23], $0x80  }
.Ltmp4:
0x1dc: {  	[sflag:s23] =	ssyncset.done $0x0;
	(pc) =	sbr.rel @p0 .LBB2_10-.Ltmp4, $4  }
0x1dd: {  	[sflag:s23] =	ssyncadd.s32 $0xFFFFFF80  }
0x1de: {  	[spmem:s2] =	stream.indirect.scatter.add.f32 [tilespmem:s28], [sflag:$0x5], $0x80, s25, s26, $0xb8;
	[tilespmem:$0x1E480] =	vst v63  }
0x1df: {  	_ =	swait.ge [sflag:s23], $0x4000  }
0x1e0: {  	s15 =	smov.u32 s16;
	[sflag:s23] =	ssyncset.done $0x0  }
0x1e1: {  	s13 =	sadd.s32 s14, s22;
	[sflag:s23] =	ssyncadd.s32 $0xFFFFC000  }
0x1e2: {  	[tilespmem:s25], [sflag:$0x5] =	stream.linear.gather [hbm4b:s13+s4], $0x80, $0x38;
	[tilespmem:$0x1E480] =	vst v63  }
0x1e3: {  	_ =	swait.ge [sflag:s23], $0x80  }
0x1e4: {  	[sflag:s23] =	ssyncset.done $0x0  }
0x1e5: {  	[sflag:s23] =	ssyncadd.s32 $0xFFFFFF80  }
0x1e6: {  	[spmem:s2] =	stream.indirect.scatter.add.f32 [tilespmem:s28], [sflag:$0x5], $0x80, s25, s26, $0xb8;
	[tilespmem:$0x1E480] =	vst v63  }
0x1e7: {  	_ =	swait.ge [sflag:s23], $0x4000  }
0x1e8: {  	[sflag:s23] =	ssyncset.done $0x0  }
0x1e9: {  	[sflag:s23] =	ssyncadd.s32 $0xFFFFC000  }
0x1ea: {  	[bflag:$0x0] =	sbarrier.arrive $0xFFFF  }
0x1eb: {  	s18 =	rddreg [dreg:$0xd]  }
0x1ec: {  	[hbm:s18], [sflag:s24] =	dma.local [spmem:s11], $0x2780  }
0x1ed: {  	_ =	swait.ge [sflag:s23], $0x2780  }
0x1ee: {  	s10 =	sadd.s32 $0x1, s10;
	s19 =	rddreg [dreg:$0x8]  }
0x1ef: {  	p0 =	sne.s32 s10, s19  }
.Ltmp5:
0x1f0: {  	_ = 	snop;
	(pc) =	sbr.rel @p0 .LBB2_1-.Ltmp5, $3  }
0x1f1: {  	_ =	sdelay $0x1  }
0x1f2: {  	[sflag:s23] =	ssyncset.done $0x0  }
0x1f3: {  	[sflag:s23] =	ssyncadd.s32 $0xFFFFD880  }
0x1f4: {  	_ =	sfence.sel $0x180000  }
0x1f5: {  	[bflag:$0x0] =	sbarrier.arrive $0xFFFF  }
0x1f6: {  	_ =	strace $0x90000047  }
0x1f7: {  	s0 =	stileid.u32;
	[bflag:$0x2] =	sbarrier.arrive $0xFFFF  }
0x1f8: {  	p0 =	sne.s32 s0, $0x0;
	s0 =	rddreg [dreg:$0x4]  }
0x1f9: {  	s0 =	sadd.s32 @!p0 $0x100000, s0  }
0x1fa: {  	[sflag:s0] =	ssyncadd.tile.s32 @!p0 $0x1;
	_ =	shalt  }
.Lfunc_end2:
_tile_overlayer_lowered:
.L_overlay_start_2:
0x1fb: {  	(tag) =	ssettag $0x2  }
0x1fc: {  	s0 =	rddreg [dreg:$0x0];
	s2 =	stileid.u32  }
0x1fd: {  	s1 =	rddreg [dreg:$0x1];
	p0 =	sne.s32 s2, $0x0  }
0x1fe: {  	s3 =	rddreg [dreg:$0x2];
	[bflag:$0x3] =	sbarrier.arrive $0xFFFF;
	s2 =	simm.s32 @!p0 $0x1C05  }
0x1ff: {  	[timem:s3], [sflag:s2] =	dma.local @!p0 [hbm:s0], s1  }
0x200: {  	s0 =	simm.s32 @!p0 $0x5  }
0x201: {  	_ =	swait.ge @!p0 [sflag:s0], s1  }
0x202: {  	s1 =	ssub.s32 @!p0 $0x0, s1;
	[sflag:s0] =	ssyncset.done @!p0 $0x0  }
0x203: {  	[sflag:s0] =	ssyncadd.s32 @!p0 s1  }
0x204: {  	[bflag:$0x3] =	sbarrier.arrive $0xFFFF  }
0x205: {  	_ =	shalt  }

</sc_bundles>
